<compile_context>
chip_gen: v7x
topology: tpu7x:2x2x1
jax: 0.10.2.dev20260603
libtpu: 0.0.44.dev20260713+nightly
codegen_flags: <defaults>
</compile_context>

<pallas_src>
import functools

import jax
import jax.numpy as jnp
from jax import lax
from jax.experimental import pallas as pl
from jax.experimental.pallas import tpu as pltpu
from jax.experimental.pallas import tpu_sc as plsc

EMB = 4101
IGN = 5
HW = 4224
BATCH = 1024
NSLICE = 3
ROWS = BATCH * NSLICE
SEQ = 200
H1 = 768
H2 = 256

NC = 2
NS = 16
NW = NC * NS
GROUP = 16
GROUPS_PER_W = ROWS // (NW * GROUP)


def _sc_hist_body(xt_hbm, out_hbm, tok_v, hist_v, *, groups_per_w):
    wid = lax.axis_index("s") * NC + lax.axis_index("c")
    lanes = lax.iota(jnp.int32, 16)
    zeros16 = jnp.zeros((16,), jnp.float32)
    ones16 = jnp.ones((16,), jnp.float32)

    @plsc.parallel_loop(0, HW // 16, unroll=4)
    def _z(i):
        for r in range(GROUP):
            hist_v[r, pl.ds(i * 16, 16)] = zeros16

    pltpu.sync_copy(xt_hbm.at[pl.ds(wid * groups_per_w * GROUP, groups_per_w * GROUP), :],
                    tok_v)

    def _group(j, _):
        base = (wid * groups_per_w + j) * GROUP
        rows = j * GROUP + lanes

        @plsc.parallel_loop(0, SEQ, unroll=8)
        def _acc(t):
            tv = plsc.load_gather(tok_v, [rows, jnp.full((16,), t, jnp.int32)])
            plsc.addupdate_scatter(hist_v, [lanes, tv], ones16)

        pltpu.sync_copy(hist_v, out_hbm.at[pl.ds(base, GROUP), :])

        @plsc.parallel_loop(0, SEQ, unroll=8)
        def _clr(t):
            tv = plsc.load_gather(tok_v, [rows, jnp.full((16,), t, jnp.int32)])
            plsc.store_scatter(hist_v, [lanes, tv], zeros16)

        return 0

    lax.fori_loop(0, groups_per_w, _group, 0)


BM = 384


def _mlp_body(c_ref, w1_ref, b1_ref, w2_ref, b2_ref, o_ref):
    c = c_ref[...]
    head = c[:, :128]
    col = lax.broadcasted_iota(jnp.int32, (BM, 128), 1)
    ign = jnp.sum(jnp.where(col < IGN, head, 0.0), axis=1, keepdims=True)
    scale = 10.0 / jnp.maximum(float(SEQ) - ign, 1.0)
    h = lax.dot_general(c, w1_ref[...], (((1,), (0,)), ((), ())),
                        preferred_element_type=jnp.float32)
    h = jnp.maximum(h * scale + b1_ref[...], 0.0)
    o_ref[...] = lax.dot_general(h, w2_ref[...], (((1,), (0,)), ((), ())),
                                 preferred_element_type=jnp.float32) + b2_ref[...]


def _make_tc_mlp(rows):
    return pl.pallas_call(
        _mlp_body,
        grid=(rows // BM,),
        in_specs=[
            pl.BlockSpec((BM, HW), lambda i: (i, 0)),
            pl.BlockSpec((HW, H1), lambda i: (0, 0)),
            pl.BlockSpec((1, H1), lambda i: (0, 0)),
            pl.BlockSpec((H1, H2), lambda i: (0, 0)),
            pl.BlockSpec((1, H2), lambda i: (0, 0)),
        ],
        out_specs=pl.BlockSpec((BM, H2), lambda i: (i, 0)),
        out_shape=jax.ShapeDtypeStruct((rows, H2), jnp.float32),
    )


def kernel(X, W1, b1, W2, b2):
    Xs = jnp.swapaxes(X, 0, 1).reshape(ROWS, SEQ).astype(jnp.int32)
    W1z = jnp.concatenate(
        [jnp.zeros((IGN, H1), W1.dtype), W1[IGN:], jnp.zeros((HW - EMB, H1), W1.dtype)],
        axis=0,
    )
    nchunk = 1
    crows = ROWS // nchunk
    sc_hist = pl.kernel(
        functools.partial(_sc_hist_body, groups_per_w=crows // (NW * GROUP)),
        mesh=plsc.VectorSubcoreMesh(core_axis_name="c", subcore_axis_name="s"),
        out_type=jax.ShapeDtypeStruct((crows, HW), jnp.float32),
        scratch_types=[
            pltpu.VMEM((crows // NW, SEQ), jnp.int32),
            pltpu.VMEM((GROUP, HW), jnp.float32),
        ],
        compiler_params=pltpu.CompilerParams(
            use_tc_tiling_on_sc=True, needs_layout_passes=False
        ),
    )
    b1r, b2r = b1.reshape(1, H1), b2.reshape(1, H2)
    tc_mlp = _make_tc_mlp(crows)
    outs = []
    for k in range(nchunk):
        ck = sc_hist(Xs[k * crows:(k + 1) * crows])
        outs.append(tc_mlp(ck, W1z, b1r, W2, b2r))
    out = jnp.concatenate(outs, axis=0)
    return out[:BATCH], out[BATCH:2 * BATCH], out[2 * BATCH:]

# --- scband reference (transcript-rebuilt; emitter-appended) ---
"""Pipeline reference for scband-tuner-9311489098238 (READ-ONLY COPY).

The authoritative reference and input builder live on the scoring server;
editing this copy changes nothing except your own understanding.
"""

import jax, jax.numpy as jnp
import numpy as np

EMBEDDING_SIZE = 4101
NUM_IGNORED = 5  # tokens {0,1,2,3,4} are ignored


def setup_inputs(seed: int = 0) -> dict:
    key = jax.random.key(seed)
    k1, k2, k3 = jax.random.split(key, 3)
    # token ids in [0, 4101)
    X = jax.random.randint(k1, (1024, 3, 200), 0, EMBEDDING_SIZE)
    # Tuner MLP params: Linear(4101 -> 768), Linear(768 -> 256)
    W1 = jax.random.normal(k2, (EMBEDDING_SIZE, 768), dtype=jnp.float32) * 0.02
    b1 = jnp.zeros((768,), dtype=jnp.float32)
    W2 = jax.random.normal(k3, (768, 256), dtype=jnp.float32) * 0.02
    b2 = jnp.zeros((256,), dtype=jnp.float32)
    return {"X": X, "W1": W1, "b1": b1, "W2": W2, "b2": b2}


def calc_frequency(X2d):
    # X2d: int[B, L] -> float32[B, EMBEDDING_SIZE]
    def per_row(row):
        counts = jnp.bincount(row, length=EMBEDDING_SIZE).astype(jnp.float32)
        # drop ignored tokens {0,1,2,3,4}
        counts = counts.at[jnp.arange(NUM_IGNORED)].set(0.0)
        seq_len = counts.sum()
        # if seq_len > 0: freq = counts / seq_len * 10; else counts are all zero anyway
        return counts * (10.0 / jnp.maximum(seq_len, 1.0))
    return jax.vmap(per_row)(X2d)


def _tuner_mlp(f, W1, b1, W2, b2):
    h = jnp.maximum(f @ W1 + b1, 0.0)
    return h @ W2 + b2


def reference(X, W1, b1, W2, b2):
    def single_pass_freq(Xi):
        f = calc_frequency(Xi)
        return _tuner_mlp(f, W1, b1, W2, b2)
    anchor = single_pass_freq(X[:, 0, :])
    pos = single_pass_freq(X[:, 1, :])
    neg = single_pass_freq(X[:, 2, :])
    return (anchor, pos, neg)

if __name__ == "__main__":
    import jax
    _d = setup_inputs()
    print(jax.jit(kernel)(*tuple(_d.values())))

</pallas_src>

<mosaic_0001>
#map = affine_map<(d0, d1) -> (0, 0)>
module attributes {stable_mosaic.version = 14 : i64} {
  func.func @_sc_hist_body(%arg0: i32, %arg1: i32, %arg2: memref<3072x200xi32, #tpu.memory_space<hbm>>, %arg3: memref<3072x4224xf32, #tpu.memory_space<hbm>>, %arg4: memref<96x200xi32, #tpu.memory_space<vmem>>, %arg5: memref<16x4224xf32, #tpu.memory_space<vmem>>) attributes {dimension_semantics = [#tpu.dimension_semantics<core_parallel>, #tpu.dimension_semantics<subcore_parallel>], iteration_bounds = array<i64: 2, 16>, scalar_prefetch = 0 : i64, scratch_operands = 2 : i64, tpu.core_type = #tpu.core_type<sc_vector_subcore>, window_params = [{transform_indices = #map}, {transform_indices = #map}]} {
    %mul3A = arith.constant 2 : i32
    %mul3A_0 = arith.muli %arg1, %mul3A : i32
    %add3A = arith.addi %mul3A_0, %arg0 : i32
    %iota3A = tpu.iota {dimensions = array<i32: 0>} : vector<16xi32>
    %broadcast_in_dim3A = arith.constant 0.000000e+00 : f32
    %broadcast_in_dim3A_1 = vector.broadcast %broadcast_in_dim3A : f32 to vector<16xf32>
    %broadcast_in_dim3A_2 = arith.constant 1.000000e+00 : f32
    %broadcast_in_dim3A_3 = vector.broadcast %broadcast_in_dim3A_2 : f32 to vector<16xf32>
    %parallel_loop3A = arith.constant 0 : i32
    %parallel_loop3A_4 = arith.constant 264 : i32
    %parallel_loop3A_5 = arith.constant 1 : i32
    scf.for %parallel_loop3A_16 = %parallel_loop3A to %parallel_loop3A_4 step %parallel_loop3A_5  : i32 {
      %parallel_loop3A_17 = arith.constant 16 : i32
      %parallel_loop3A_18 = arith.muli %parallel_loop3A_16, %parallel_loop3A_17 : i32
      %parallel_loop3A_19 = arith.constant 0 : i32
      %parallel_loop3A_20 = arith.index_cast %parallel_loop3A_19 : i32 to index
      %parallel_loop3A_21 = arith.index_cast %parallel_loop3A_18 : i32 to index
      %parallel_loop3A_22 = tpu.vector_load %arg5[%parallel_loop3A_20, %parallel_loop3A_21] {strides = array<i32>} : memref<16x4224xf32, #tpu.memory_space<vmem>>, vector<16xf32>,
      tpu.vector_store %arg5[%parallel_loop3A_20, %parallel_loop3A_21], %broadcast_in_dim3A_1 {strides = array<i32>} : memref<16x4224xf32, #tpu.memory_space<vmem>>, vector<16xf32>,
      %parallel_loop3A_23 = arith.constant 16 : i32
      %parallel_loop3A_24 = arith.muli %parallel_loop3A_16, %parallel_loop3A_23 : i32
      %parallel_loop3A_25 = arith.constant 1 : i32
      %parallel_loop3A_26 = arith.index_cast %parallel_loop3A_25 : i32 to index
      %parallel_loop3A_27 = arith.index_cast %parallel_loop3A_24 : i32 to index
      %parallel_loop3A_28 = tpu.vector_load %arg5[%parallel_loop3A_26, %parallel_loop3A_27] {strides = array<i32>} : memref<16x4224xf32, #tpu.memory_space<vmem>>, vector<16xf32>,
      tpu.vector_store %arg5[%parallel_loop3A_26, %parallel_loop3A_27], %broadcast_in_dim3A_1 {strides = array<i32>} : memref<16x4224xf32, #tpu.memory_space<vmem>>, vector<16xf32>,
      %parallel_loop3A_29 = arith.constant 16 : i32
      %parallel_loop3A_30 = arith.muli %parallel_loop3A_16, %parallel_loop3A_29 : i32
      %parallel_loop3A_31 = arith.constant 2 : i32
      %parallel_loop3A_32 = arith.index_cast %parallel_loop3A_31 : i32 to index
      %parallel_loop3A_33 = arith.index_cast %parallel_loop3A_30 : i32 to index
      %parallel_loop3A_34 = tpu.vector_load %arg5[%parallel_loop3A_32, %parallel_loop3A_33] {strides = array<i32>} : memref<16x4224xf32, #tpu.memory_space<vmem>>, vector<16xf32>,
      tpu.vector_store %arg5[%parallel_loop3A_32, %parallel_loop3A_33], %broadcast_in_dim3A_1 {strides = array<i32>} : memref<16x4224xf32, #tpu.memory_space<vmem>>, vector<16xf32>,
      %parallel_loop3A_35 = arith.constant 16 : i32
      %parallel_loop3A_36 = arith.muli %parallel_loop3A_16, %parallel_loop3A_35 : i32
      %parallel_loop3A_37 = arith.constant 3 : i32
      %parallel_loop3A_38 = arith.index_cast %parallel_loop3A_37 : i32 to index
      %parallel_loop3A_39 = arith.index_cast %parallel_loop3A_36 : i32 to index
      %parallel_loop3A_40 = tpu.vector_load %arg5[%parallel_loop3A_38, %parallel_loop3A_39] {strides = array<i32>} : memref<16x4224xf32, #tpu.memory_space<vmem>>, vector<16xf32>,
      tpu.vector_store %arg5[%parallel_loop3A_38, %parallel_loop3A_39], %broadcast_in_dim3A_1 {strides = array<i32>} : memref<16x4224xf32, #tpu.memory_space<vmem>>, vector<16xf32>,
      %parallel_loop3A_41 = arith.constant 16 : i32
      %parallel_loop3A_42 = arith.muli %parallel_loop3A_16, %parallel_loop3A_41 : i32
      %parallel_loop3A_43 = arith.constant 4 : i32
      %parallel_loop3A_44 = arith.index_cast %parallel_loop3A_43 : i32 to index
      %parallel_loop3A_45 = arith.index_cast %parallel_loop3A_42 : i32 to index
      %parallel_loop3A_46 = tpu.vector_load %arg5[%parallel_loop3A_44, %parallel_loop3A_45] {strides = array<i32>} : memref<16x4224xf32, #tpu.memory_space<vmem>>, vector<16xf32>,
      tpu.vector_store %arg5[%parallel_loop3A_44, %parallel_loop3A_45], %broadcast_in_dim3A_1 {strides = array<i32>} : memref<16x4224xf32, #tpu.memory_space<vmem>>, vector<16xf32>,
      %parallel_loop3A_47 = arith.constant 16 : i32
      %parallel_loop3A_48 = arith.muli %parallel_loop3A_16, %parallel_loop3A_47 : i32
      %parallel_loop3A_49 = arith.constant 5 : i32
      %parallel_loop3A_50 = arith.index_cast %parallel_loop3A_49 : i32 to index
      %parallel_loop3A_51 = arith.index_cast %parallel_loop3A_48 : i32 to index
      %parallel_loop3A_52 = tpu.vector_load %arg5[%parallel_loop3A_50, %parallel_loop3A_51] {strides = array<i32>} : memref<16x4224xf32, #tpu.memory_space<vmem>>, vector<16xf32>,
      tpu.vector_store %arg5[%parallel_loop3A_50, %parallel_loop3A_51], %broadcast_in_dim3A_1 {strides = array<i32>} : memref<16x4224xf32, #tpu.memory_space<vmem>>, vector<16xf32>,
      %parallel_loop3A_53 = arith.constant 16 : i32
      %parallel_loop3A_54 = arith.muli %parallel_loop3A_16, %parallel_loop3A_53 : i32
      %parallel_loop3A_55 = arith.constant 6 : i32
      %parallel_loop3A_56 = arith.index_cast %parallel_loop3A_55 : i32 to index
      %parallel_loop3A_57 = arith.index_cast %parallel_loop3A_54 : i32 to index
      %parallel_loop3A_58 = tpu.vector_load %arg5[%parallel_loop3A_56, %parallel_loop3A_57] {strides = array<i32>} : memref<16x4224xf32, #tpu.memory_space<vmem>>, vector<16xf32>,
      tpu.vector_store %arg5[%parallel_loop3A_56, %parallel_loop3A_57], %broadcast_in_dim3A_1 {strides = array<i32>} : memref<16x4224xf32, #tpu.memory_space<vmem>>, vector<16xf32>,
      %parallel_loop3A_59 = arith.constant 16 : i32
      %parallel_loop3A_60 = arith.muli %parallel_loop3A_16, %parallel_loop3A_59 : i32
      %parallel_loop3A_61 = arith.constant 7 : i32
      %parallel_loop3A_62 = arith.index_cast %parallel_loop3A_61 : i32 to index
      %parallel_loop3A_63 = arith.index_cast %parallel_loop3A_60 : i32 to index
      %parallel_loop3A_64 = tpu.vector_load %arg5[%parallel_loop3A_62, %parallel_loop3A_63] {strides = array<i32>} : memref<16x4224xf32, #tpu.memory_space<vmem>>, vector<16xf32>,
      tpu.vector_store %arg5[%parallel_loop3A_62, %parallel_loop3A_63], %broadcast_in_dim3A_1 {strides = array<i32>} : memref<16x4224xf32, #tpu.memory_space<vmem>>, vector<16xf32>,
      %parallel_loop3A_65 = arith.constant 16 : i32
      %parallel_loop3A_66 = arith.muli %parallel_loop3A_16, %parallel_loop3A_65 : i32
      %parallel_loop3A_67 = arith.constant 8 : i32
      %parallel_loop3A_68 = arith.index_cast %parallel_loop3A_67 : i32 to index
      %parallel_loop3A_69 = arith.index_cast %parallel_loop3A_66 : i32 to index
      %parallel_loop3A_70 = tpu.vector_load %arg5[%parallel_loop3A_68, %parallel_loop3A_69] {strides = array<i32>} : memref<16x4224xf32, #tpu.memory_space<vmem>>, vector<16xf32>,
      tpu.vector_store %arg5[%parallel_loop3A_68, %parallel_loop3A_69], %broadcast_in_dim3A_1 {strides = array<i32>} : memref<16x4224xf32, #tpu.memory_space<vmem>>, vector<16xf32>,
      %parallel_loop3A_71 = arith.constant 16 : i32
      %parallel_loop3A_72 = arith.muli %parallel_loop3A_16, %parallel_loop3A_71 : i32
      %parallel_loop3A_73 = arith.constant 9 : i32
      %parallel_loop3A_74 = arith.index_cast %parallel_loop3A_73 : i32 to index
      %parallel_loop3A_75 = arith.index_cast %parallel_loop3A_72 : i32 to index
      %parallel_loop3A_76 = tpu.vector_load %arg5[%parallel_loop3A_74, %parallel_loop3A_75] {strides = array<i32>} : memref<16x4224xf32, #tpu.memory_space<vmem>>, vector<16xf32>,
      tpu.vector_store %arg5[%parallel_loop3A_74, %parallel_loop3A_75], %broadcast_in_dim3A_1 {strides = array<i32>} : memref<16x4224xf32, #tpu.memory_space<vmem>>, vector<16xf32>,
      %parallel_loop3A_77 = arith.constant 16 : i32
      %parallel_loop3A_78 = arith.muli %parallel_loop3A_16, %parallel_loop3A_77 : i32
      %parallel_loop3A_79 = arith.constant 10 : i32
      %parallel_loop3A_80 = arith.index_cast %parallel_loop3A_79 : i32 to index
      %parallel_loop3A_81 = arith.index_cast %parallel_loop3A_78 : i32 to index
      %parallel_loop3A_82 = tpu.vector_load %arg5[%parallel_loop3A_80, %parallel_loop3A_81] {strides = array<i32>} : memref<16x4224xf32, #tpu.memory_space<vmem>>, vector<16xf32>,
      tpu.vector_store %arg5[%parallel_loop3A_80, %parallel_loop3A_81], %broadcast_in_dim3A_1 {strides = array<i32>} : memref<16x4224xf32, #tpu.memory_space<vmem>>, vector<16xf32>,
      %parallel_loop3A_83 = arith.constant 16 : i32
      %parallel_loop3A_84 = arith.muli %parallel_loop3A_16, %parallel_loop3A_83 : i32
      %parallel_loop3A_85 = arith.constant 11 : i32
      %parallel_loop3A_86 = arith.index_cast %parallel_loop3A_85 : i32 to index
      %parallel_loop3A_87 = arith.index_cast %parallel_loop3A_84 : i32 to index
      %parallel_loop3A_88 = tpu.vector_load %arg5[%parallel_loop3A_86, %parallel_loop3A_87] {strides = array<i32>} : memref<16x4224xf32, #tpu.memory_space<vmem>>, vector<16xf32>,
      tpu.vector_store %arg5[%parallel_loop3A_86, %parallel_loop3A_87], %broadcast_in_dim3A_1 {strides = array<i32>} : memref<16x4224xf32, #tpu.memory_space<vmem>>, vector<16xf32>,
      %parallel_loop3A_89 = arith.constant 16 : i32
      %parallel_loop3A_90 = arith.muli %parallel_loop3A_16, %parallel_loop3A_89 : i32
      %parallel_loop3A_91 = arith.constant 12 : i32
      %parallel_loop3A_92 = arith.index_cast %parallel_loop3A_91 : i32 to index
      %parallel_loop3A_93 = arith.index_cast %parallel_loop3A_90 : i32 to index
      %parallel_loop3A_94 = tpu.vector_load %arg5[%parallel_loop3A_92, %parallel_loop3A_93] {strides = array<i32>} : memref<16x4224xf32, #tpu.memory_space<vmem>>, vector<16xf32>,
      tpu.vector_store %arg5[%parallel_loop3A_92, %parallel_loop3A_93], %broadcast_in_dim3A_1 {strides = array<i32>} : memref<16x4224xf32, #tpu.memory_space<vmem>>, vector<16xf32>,
      %parallel_loop3A_95 = arith.constant 16 : i32
      %parallel_loop3A_96 = arith.muli %parallel_loop3A_16, %parallel_loop3A_95 : i32
      %parallel_loop3A_97 = arith.constant 13 : i32
      %parallel_loop3A_98 = arith.index_cast %parallel_loop3A_97 : i32 to index
      %parallel_loop3A_99 = arith.index_cast %parallel_loop3A_96 : i32 to index
      %parallel_loop3A_100 = tpu.vector_load %arg5[%parallel_loop3A_98, %parallel_loop3A_99] {strides = array<i32>} : memref<16x4224xf32, #tpu.memory_space<vmem>>, vector<16xf32>,
      tpu.vector_store %arg5[%parallel_loop3A_98, %parallel_loop3A_99], %broadcast_in_dim3A_1 {strides = array<i32>} : memref<16x4224xf32, #tpu.memory_space<vmem>>, vector<16xf32>,
      %parallel_loop3A_101 = arith.constant 16 : i32
      %parallel_loop3A_102 = arith.muli %parallel_loop3A_16, %parallel_loop3A_101 : i32
      %parallel_loop3A_103 = arith.constant 14 : i32
      %parallel_loop3A_104 = arith.index_cast %parallel_loop3A_103 : i32 to index
      %parallel_loop3A_105 = arith.index_cast %parallel_loop3A_102 : i32 to index
      %parallel_loop3A_106 = tpu.vector_load %arg5[%parallel_loop3A_104, %parallel_loop3A_105] {strides = array<i32>} : memref<16x4224xf32, #tpu.memory_space<vmem>>, vector<16xf32>,
      tpu.vector_store %arg5[%parallel_loop3A_104, %parallel_loop3A_105], %broadcast_in_dim3A_1 {strides = array<i32>} : memref<16x4224xf32, #tpu.memory_space<vmem>>, vector<16xf32>,
      %parallel_loop3A_107 = arith.constant 16 : i32
      %parallel_loop3A_108 = arith.muli %parallel_loop3A_16, %parallel_loop3A_107 : i32
      %parallel_loop3A_109 = arith.constant 15 : i32
      %parallel_loop3A_110 = arith.index_cast %parallel_loop3A_109 : i32 to index
      %parallel_loop3A_111 = arith.index_cast %parallel_loop3A_108 : i32 to index
      %parallel_loop3A_112 = tpu.vector_load %arg5[%parallel_loop3A_110, %parallel_loop3A_111] {strides = array<i32>} : memref<16x4224xf32, #tpu.memory_space<vmem>>, vector<16xf32>,
      tpu.vector_store %arg5[%parallel_loop3A_110, %parallel_loop3A_111], %broadcast_in_dim3A_1 {strides = array<i32>} : memref<16x4224xf32, #tpu.memory_space<vmem>>, vector<16xf32>,
    } {sc.loop_unroll_factor = 4 : i64, sc.parallel_access}
    %mul3A_6 = arith.constant 6 : i32
    %mul3A_7 = arith.muli %add3A, %mul3A_6 : i32
    %mul3A_8 = arith.constant 16 : i32
    %mul3A_9 = arith.muli %mul3A_7, %mul3A_8 : i32
    "tpu.region"() ({
      %run_scoped3A = tpu.sem_alloc : memref<!tpu.dma_semaphore, #tpu.memory_space<semaphore_mem>>
      %dma_start3A = arith.constant 0 : i32
      %dma_start3A_16 = tpu.memref_slice %arg2[%mul3A_9, %dma_start3A] : memref<3072x200xi32, #tpu.memory_space<hbm>> -> memref<96x200xi32, #tpu.memory_space<hbm>>
      %dma_start3A_17 = arith.constant 0 : i32
      %dma_start3A_18 = tpu.memref_slice %arg2[%mul3A_9, %dma_start3A_17] : memref<3072x200xi32, #tpu.memory_space<hbm>> -> memref<96x200xi32, #tpu.memory_space<hbm>>
      tpu.enqueue_dma source(%dma_start3A_18 : memref<96x200xi32, #tpu.memory_space<hbm>>) target(%arg4 : memref<96x200xi32, #tpu.memory_space<vmem>>) target_semaphore(%run_scoped3A : memref<!tpu.dma_semaphore, #tpu.memory_space<semaphore_mem>>)
      %dma_wait3A = arith.constant 0 : i32
      %dma_wait3A_19 = tpu.memref_slice %arg2[%mul3A_9, %dma_wait3A] : memref<3072x200xi32, #tpu.memory_space<hbm>> -> memref<96x200xi32, #tpu.memory_space<hbm>>
      %dma_wait3A_20 = arith.constant 0 : i32
      %dma_wait3A_21 = tpu.memref_slice %arg2[%mul3A_9, %dma_wait3A_20] : memref<3072x200xi32, #tpu.memory_space<hbm>> -> memref<96x200xi32, #tpu.memory_space<hbm>>
      tpu.wait_dma2 semaphore(%run_scoped3A : memref<!tpu.dma_semaphore, #tpu.memory_space<semaphore_mem>>) src(%dma_wait3A_21 : memref<96x200xi32, #tpu.memory_space<hbm>>) dst(%arg4 : memref<96x200xi32, #tpu.memory_space<vmem>>)
      tpu.yield
    }) : () -> ()
    %scan3A = arith.constant 0 : i32
    %scan3A_10 = arith.constant 0 : i32
    %scan3A_11 = arith.constant 6 : i32
    %scan3A_12 = arith.addi %scan3A_10, %scan3A_11 : i32
    %scan3A_13 = arith.constant 1 : i32
    %scan3A_14 = scf.for %scan3A_16 = %scan3A_10 to %scan3A_12 step %scan3A_13 iter_args(%scan3A_17 = %scan3A) -> (i32)  : i32 {
      %mul3A_18 = arith.constant 6 : i32
      %mul3A_19 = arith.muli %add3A, %mul3A_18 : i32
      %add3A_20 = arith.addi %mul3A_19, %scan3A_16 : i32
      %mul3A_21 = arith.constant 16 : i32
      %mul3A_22 = arith.muli %add3A_20, %mul3A_21 : i32
      %mul3A_23 = arith.constant 16 : i32
      %mul3A_24 = arith.muli %scan3A_16, %mul3A_23 : i32
      %add3A_25 = vector.broadcast %mul3A_24 : i32 to vector<16xi32>
      %add3A_26 = arith.addi %add3A_25, %iota3A : vector<16xi32>
      %parallel_loop3A_27 = arith.constant 0 : i32
      %parallel_loop3A_28 = arith.constant 200 : i32
      %parallel_loop3A_29 = arith.constant 1 : i32
      scf.for %parallel_loop3A_34 = %parallel_loop3A_27 to %parallel_loop3A_28 step %parallel_loop3A_29  : i32 {
        %parallel_loop3A_35 = vector.broadcast %parallel_loop3A_34 : i32 to vector<16xi32>
        %parallel_loop3A_36 = tpu.vector_load_idx %arg4[%add3A_26, %parallel_loop3A_35] : memref<96x200xi32, #tpu.memory_space<vmem>>[vector<16xi32>, vector<16xi32>], vector<16xi32>,
        tpu.vector_store_idx %arg5[%iota3A, %parallel_loop3A_36], %broadcast_in_dim3A_3 {add = true} : memref<16x4224xf32, #tpu.memory_space<vmem>>[vector<16xi32>, vector<16xi32>], vector<16xf32>,
      } {sc.loop_unroll_factor = 8 : i64, sc.parallel_access}
      "tpu.region"() ({
        %run_scoped3A = tpu.sem_alloc : memref<!tpu.dma_semaphore, #tpu.memory_space<semaphore_mem>>
        %dma_start3A = arith.constant 0 : i32
        %dma_start3A_34 = tpu.memref_slice %arg3[%mul3A_22, %dma_start3A] : memref<3072x4224xf32, #tpu.memory_space<hbm>> -> memref<16x4224xf32, #tpu.memory_space<hbm>>
        %dma_start3A_35 = arith.constant 0 : i32
        %dma_start3A_36 = tpu.memref_slice %arg3[%mul3A_22, %dma_start3A_35] : memref<3072x4224xf32, #tpu.memory_space<hbm>> -> memref<16x4224xf32, #tpu.memory_space<hbm>>
        tpu.enqueue_dma source(%arg5 : memref<16x4224xf32, #tpu.memory_space<vmem>>) target(%dma_start3A_36 : memref<16x4224xf32, #tpu.memory_space<hbm>>) target_semaphore(%run_scoped3A : memref<!tpu.dma_semaphore, #tpu.memory_space<semaphore_mem>>)
        %dma_wait3A = arith.constant 0 : i32
        %dma_wait3A_37 = tpu.memref_slice %arg3[%mul3A_22, %dma_wait3A] : memref<3072x4224xf32, #tpu.memory_space<hbm>> -> memref<16x4224xf32, #tpu.memory_space<hbm>>
        %dma_wait3A_38 = arith.constant 0 : i32
        %dma_wait3A_39 = tpu.memref_slice %arg3[%mul3A_22, %dma_wait3A_38] : memref<3072x4224xf32, #tpu.memory_space<hbm>> -> memref<16x4224xf32, #tpu.memory_space<hbm>>
        tpu.wait_dma2 semaphore(%run_scoped3A : memref<!tpu.dma_semaphore, #tpu.memory_space<semaphore_mem>>) src(%arg5 : memref<16x4224xf32, #tpu.memory_space<vmem>>) dst(%dma_wait3A_39 : memref<16x4224xf32, #tpu.memory_space<hbm>>)
        tpu.yield
      }) : () -> ()
      %parallel_loop3A_30 = arith.constant 0 : i32
      %parallel_loop3A_31 = arith.constant 200 : i32
      %parallel_loop3A_32 = arith.constant 1 : i32
      scf.for %parallel_loop3A_34 = %parallel_loop3A_30 to %parallel_loop3A_31 step %parallel_loop3A_32  : i32 {
        %parallel_loop3A_35 = vector.broadcast %parallel_loop3A_34 : i32 to vector<16xi32>
        %parallel_loop3A_36 = tpu.vector_load_idx %arg4[%add3A_26, %parallel_loop3A_35] : memref<96x200xi32, #tpu.memory_space<vmem>>[vector<16xi32>, vector<16xi32>], vector<16xi32>,
        tpu.vector_store_idx %arg5[%iota3A, %parallel_loop3A_36], %broadcast_in_dim3A_1 : memref<16x4224xf32, #tpu.memory_space<vmem>>[vector<16xi32>, vector<16xi32>], vector<16xf32>,
      } {sc.loop_unroll_factor = 8 : i64, sc.parallel_access}
      %scan3A_33 = arith.constant 0 : i32
      scf.yield %scan3A_33 : i32
    }
    %scan3A_15 = arith.constant 6 : i32
    return
  }
}

module attributes {stable_mosaic.version = 14 : i64} {
  func.func @_mlp_body(%arg0: i32, %arg1: memref<384x4224xf32, #tpu.memory_space<vmem>>, %arg2: memref<4224x768xf32, #tpu.memory_space<vmem>>, %arg3: memref<1x768xf32, #tpu.memory_space<vmem>>, %arg4: memref<768x256xf32, #tpu.memory_space<vmem>>, %arg5: memref<1x256xf32, #tpu.memory_space<vmem>>, %arg6: memref<384x256xf32, #tpu.memory_space<vmem>>) attributes {dimension_semantics = [#tpu.dimension_semantics<arbitrary>], iteration_bounds = array<i64: 8>, scalar_prefetch = 0 : i64, scratch_operands = 0 : i64, tpu.core_type = #tpu.core_type<tc>, window_params = [{transform_indices = @transform_0, window_bounds = array<i64: 384, 4224>}, {pipeline_mode = #tpu.pipeline_mode<synchronous>, transform_indices = @transform_1, window_bounds = array<i64: 4224, 768>}, {pipeline_mode = #tpu.pipeline_mode<synchronous>, transform_indices = @transform_2, window_bounds = array<i64: 1, 768>}, {pipeline_mode = #tpu.pipeline_mode<synchronous>, transform_indices = @transform_3, window_bounds = array<i64: 768, 256>}, {pipeline_mode = #tpu.pipeline_mode<synchronous>, transform_indices = @transform_4, window_bounds = array<i64: 1, 256>}, {transform_indices = @transform_5, window_bounds = array<i64: 384, 256>}]} {
    %get3A = arith.constant 0 : index
    %get3A_0 = arith.constant 0 : index
    %get3A_1 = vector.load %arg1[%get3A, %get3A_0] : memref<384x4224xf32, #tpu.memory_space<vmem>>, vector<384x4224xf32>
    %slice3A = vector.extract_strided_slice %get3A_1 {offsets = [0, 0], sizes = [384, 128], strides = [1, 1]} : vector<384x4224xf32> to vector<384x128xf32>
    %iota3A = tpu.iota {dimensions = array<i32: 1>} : vector<384x128xi32>
    %lt3A = arith.constant 5 : i32
    %lt3A_2 = vector.broadcast %lt3A : i32 to vector<384x128xi32>
    %lt3A_3 = arith.cmpi slt, %iota3A, %lt3A_2 : vector<384x128xi32>
    %jit3A = arith.constant 0.000000e+00 : f32
    %broadcast_in_dim3A = vector.broadcast %jit3A : f32 to vector<384x128xf32>
    %select_n3A = arith.select %lt3A_3, %slice3A, %broadcast_in_dim3A : vector<384x128xi1>, vector<384x128xf32>
    %reduce_sum3A = arith.constant dense<0.000000e+00> : vector<384xf32>
    %reduce_sum3A_4 = vector.multi_reduction <add>, %select_n3A, %reduce_sum3A [1] : vector<384x128xf32> to vector<384xf32>
    %broadcast_in_dim3A_5 = vector.shape_cast %reduce_sum3A_4 : vector<384xf32> to vector<384x1xf32>
    %sub3A = arith.constant 2.000000e+02 : f32
    %sub3A_6 = vector.broadcast %sub3A : f32 to vector<384x1xf32>
    %sub3A_7 = arith.subf %sub3A_6, %broadcast_in_dim3A_5 : vector<384x1xf32>
    %max3A = arith.constant 1.000000e+00 : f32
    %max3A_8 = vector.broadcast %max3A : f32 to vector<384x1xf32>
    %max3A_9 = arith.maximumf %sub3A_7, %max3A_8 : vector<384x1xf32>
    %div3A = arith.constant 1.000000e+01 : f32
    %div3A_10 = vector.broadcast %div3A : f32 to vector<384x1xf32>
    %div3A_11 = arith.divf %div3A_10, %max3A_9 : vector<384x1xf32>
    %get3A_12 = arith.constant 0 : index
    %get3A_13 = arith.constant 0 : index
    %get3A_14 = vector.load %arg2[%get3A_12, %get3A_13] : memref<4224x768xf32, #tpu.memory_space<vmem>>, vector<4224x768xf32>
    %dot_general3A = arith.constant dense<0.000000e+00> : vector<384x768xf32>
    %dot_general3A_15 = tpu.matmul %get3A_1, %get3A_14, %dot_general3A {dimension_numbers = #tpu.dot_dimension_numbers<[1], [0], [0], [1], [0, 0, 1, 1], [], []>, transpose_lhs_hint = false} : vector<384x4224xf32>, vector<4224x768xf32>, vector<384x768xf32> -> vector<384x768xf32>
    %mul3A = vector.broadcast %div3A_11 : vector<384x1xf32> to vector<384x768xf32>
    %mul3A_16 = arith.mulf %dot_general3A_15, %mul3A : vector<384x768xf32>
    %get3A_17 = arith.constant 0 : index
    %get3A_18 = arith.constant 0 : index
    %get3A_19 = vector.load %arg3[%get3A_17, %get3A_18] : memref<1x768xf32, #tpu.memory_space<vmem>>, vector<1x768xf32>
    %add3A = vector.broadcast %get3A_19 : vector<1x768xf32> to vector<384x768xf32>
    %add3A_20 = arith.addf %mul3A_16, %add3A : vector<384x768xf32>
    %max3A_21 = arith.constant 0.000000e+00 : f32
    %max3A_22 = vector.broadcast %max3A_21 : f32 to vector<384x768xf32>
    %max3A_23 = arith.maximumf %add3A_20, %max3A_22 : vector<384x768xf32>
    %get3A_24 = arith.constant 0 : index
    %get3A_25 = arith.constant 0 : index
    %get3A_26 = vector.load %arg4[%get3A_24, %get3A_25] : memref<768x256xf32, #tpu.memory_space<vmem>>, vector<768x256xf32>
    %dot_general3A_27 = arith.constant dense<0.000000e+00> : vector<384x256xf32>
    %dot_general3A_28 = tpu.matmul %max3A_23, %get3A_26, %dot_general3A_27 {dimension_numbers = #tpu.dot_dimension_numbers<[1], [0], [0], [1], [0, 0, 1, 1], [], []>, transpose_lhs_hint = false} : vector<384x768xf32>, vector<768x256xf32>, vector<384x256xf32> -> vector<384x256xf32>
    %get3A_29 = arith.constant 0 : index
    %get3A_30 = arith.constant 0 : index
    %get3A_31 = vector.load %arg5[%get3A_29, %get3A_30] : memref<1x256xf32, #tpu.memory_space<vmem>>, vector<1x256xf32>
    %add3A_32 = vector.broadcast %get3A_31 : vector<1x256xf32> to vector<384x256xf32>
    %add3A_33 = arith.addf %dot_general3A_28, %add3A_32 : vector<384x256xf32>
    %swap3A = arith.constant 0 : index
    %swap3A_34 = arith.constant 0 : index
    %swap3A_35 = vector.load %arg6[%swap3A, %swap3A_34] : memref<384x256xf32, #tpu.memory_space<vmem>>, vector<384x256xf32>
    tpu.vector_store %arg6[%swap3A, %swap3A_34], %add3A_33 {strides = array<i32>} : memref<384x256xf32, #tpu.memory_space<vmem>>, vector<384x256xf32>,
    return
  }
  func.func @transform_0(%arg0: i32) -> (i32, i32) {
    %c0_i32 = arith.constant 0 : i32
    %c0_i32_0 = arith.constant 0 : i32
    return %arg0, %c0_i32 : i32, i32
  }
  func.func @transform_1(%arg0: i32) -> (i32, i32) {
    %c0_i32 = arith.constant 0 : i32
    %c0_i32_0 = arith.constant 0 : i32
    %c0_i32_1 = arith.constant 0 : i32
    return %c0_i32, %c0_i32_0 : i32, i32
  }
  func.func @transform_2(%arg0: i32) -> (i32, i32) {
    %c0_i32 = arith.constant 0 : i32
    %c0_i32_0 = arith.constant 0 : i32
    %c0_i32_1 = arith.constant 0 : i32
    return %c0_i32, %c0_i32_0 : i32, i32
  }
  func.func @transform_3(%arg0: i32) -> (i32, i32) {
    %c0_i32 = arith.constant 0 : i32
    %c0_i32_0 = arith.constant 0 : i32
    %c0_i32_1 = arith.constant 0 : i32
    return %c0_i32, %c0_i32_0 : i32, i32
  }
  func.func @transform_4(%arg0: i32) -> (i32, i32) {
    %c0_i32 = arith.constant 0 : i32
    %c0_i32_0 = arith.constant 0 : i32
    %c0_i32_1 = arith.constant 0 : i32
    return %c0_i32, %c0_i32_0 : i32, i32
  }
  func.func @transform_5(%arg0: i32) -> (i32, i32) {
    %c0_i32 = arith.constant 0 : i32
    %c0_i32_0 = arith.constant 0 : i32
    return %arg0, %c0_i32 : i32, i32
  }
}

</mosaic_0001>

<sc_bundles>
// kernel: kernel.4.cloned.1.call-start
scs
__scs_entry_jumppad:
0x0: {  	(pc) =	sbr.rel $0x88, $3  }
0x1: {  	(tag) =	ssettag $0x0;
	lr =	simm.s32 $0x1  }
0x2: {  	[smem:$0x3F9C] =	sst lr;
	_ =	strace $0xD0000000  }
0x3: {  	_ = 	snop  }
0x4: {  	_ = 	snop  }
0x5: {  	_ = 	snop  }
0x6: {  	_ = 	snop  }
0x7: {  	_ = 	snop  }
__scs_overlays_trampoline_lowered:
0x8: {  	[smem:$0x3FAB] =	sst s0  }
0x9: {  	[smem:$0x3FAC] =	sst s1  }
0xa: {  	[smem:$0x3FAD] =	sst s2  }
0xb: {  	[smem:$0x3FAE] =	sst s3  }
0xc: {  	[smem:$0x3FAF] =	sst s4  }
0xd: {  	[smem:$0x3FB0] =	sst s5  }
0xe: {  	[smem:$0x3FB1] =	sst s6  }
0xf: {  	[smem:$0x3FB2] =	sst s7  }
0x10: {  	[smem:$0x3FB3] =	sst s8  }
0x11: {  	[smem:$0x3FB4] =	sst s9;
	s0 =	simm.s32 @!p0 $0x0  }
0x12: {  	s1 =	sld [smem:$0x3F9A];
	s0 =	simm.s32 @p0 $0x1  }
0x13: {  	[smem:$0x3FB5] =	sst s0;
	s0 =	simm.s32 @!p1 $0x0  }
0x14: {  	s2 =	sld [smem:$0x3F99];
	s0 =	simm.s32 @p1 $0x1  }
0x15: {  	[smem:$0x3FB6] =	sst s0;
	s0 =	simm.s32 @!p2 $0x0  }
0x16: {  	s3 =	sld [smem:$0x3FDB];
	s0 =	simm.s32 @p2 $0x1  }
0x17: {  	s4 =	simm.s32 $0x1BF5;
	[smem:$0x3FB8] =	sst s0  }
0x18: {  	s0 =	sld [smem:$0x3F9B];
	_ =	swait.ge [sflag:s4], $0x0  }
0x19: {  	s7 =	sld [smem:$0x3F9C]  }
0x1a: {  	s8 =	sadd.s32 $0xFFFFE003, lr  }
0x1b: {  	s9 =	sadd.s32 $0xFFFFFEF7, lr;
	s5 =	simm.s32 $0xFFFFFFFF;
	p2 =	slt.u32 s8, $0xFFFFF086  }
0x1c: {  	p1 =	slt.u32 s9, $0xF7A;
	s5 =	simm.s32 @!p2 $0x0  }
0x1d: {  	s5 =	simm.s32 @p1 $0x1;
	p0 =	seq.s32 s7, s2  }
0x1e: {  	s7 =	smul.u32 @!p0 $0xF7A, s2;
	p2 =	seq.s32 @!p0 s5, $0x0  }
0x1f: {  	s9 =	smul.u32 $0xF7A, s1;
	s8 =	simm.s32 @!p0 $0x1BF5;
	p2 =	por !p2, p0  }
0x20: {  	[sflag:s8] =	ssyncset.s32 @!p0 $0xFFFFF086;
	s6 =	sadd.s32 @!p0 s3, s7;
	s7 =	simm.s32 @!p0 $0x108  }
0x21: {  	s3 =	sadd.s32 s3, s9;
	s6 =	sadd.s32 @!p0 $0x88, s6;
	s7 =	simm.s32 @p2 $0x1082  }
0x22: {  	[simem:s7], [sflag:s8] =	dma.local @!p0 [hbm:s6], $0xF7A  }
0x23: {  	s9 =	sor.u32 $0xD0000000, s2;
	s6 =	simm.s32 $0x108;
	_ =	swait.ge @!p0 [sflag:s8], $0x0  }
0x24: {  	s3 =	sadd.s32 $0x88, s3;
	s6 =	simm.s32 @!p1 $0x1082;
	[sflag:s4] =	ssyncset.s32 $0xFFFFF086  }
0x25: {  	[simem:s6], [sflag:s4] =	dma.local [hbm:s3], $0xF7A  }
0x26: {  	[smem:$0x3F9C] =	sst s1;
	(tag) =	ssettag s2;
	_ =	strace s9  }
0x27: {  	s1 =	sld [smem:$0x3FAC]  }
0x28: {  	s2 =	sld [smem:$0x3FAD]  }
0x29: {  	s4 =	sld [smem:$0x3FAF]  }
0x2a: {  	p0 =	seq.s32 s5, $0x0;
	s5 =	sld [smem:$0x3FB0]  }
0x2b: {  	s6 =	sld [smem:$0x3FB1]  }
0x2c: {  	s7 =	sld [smem:$0x3FB2]  }
0x2d: {  	s3 =	simm.s32 $0x108;
	s8 =	sld [smem:$0x3FB3]  }
0x2e: {  	s3 =	simm.s32 @!p0 $0x1082;
	s9 =	sld [smem:$0x3FB4]  }
0x2f: {  	lr =	sadd.s32 s0, s3;
	s0 =	sld [smem:$0x3FAB]  }
0x30: {  	s3 =	sld [smem:$0x3FAE]  }
0x31: {  	[smem:$0x3FB7] =	sst s10  }
0x32: {  	s10 =	sld [smem:$0x3FB5];
	_ =	sdelay $0x3  }
0x33: {  	p0 =	seq.s32 s10, $0x1;
	s10 =	sld [smem:$0x3FB7];
	_ =	sdelay $0x3  }
0x34: {  	[smem:$0x3FB7] =	sst s10  }
0x35: {  	s10 =	sld [smem:$0x3FB6];
	_ =	sdelay $0x3  }
0x36: {  	p1 =	seq.s32 s10, $0x1;
	s10 =	sld [smem:$0x3FB7];
	_ =	sdelay $0x3  }
0x37: {  	[smem:$0x3FB7] =	sst s10  }
0x38: {  	s10 =	sld [smem:$0x3FB8]  }
0x39: {  	_ = 	snop;
	(pc) =	sbr.ind lr, $3  }
0x3a: {  	_ = 	snop  }
0x3b: {  	_ = 	snop  }
0x3c: {  	p2 =	seq.s32 s10, $0x1;
	s10 =	sld [smem:$0x3FB7]  }
0x3d: {  	_ =	shalt  }
0x3e: {  	_ =	shalt  }
0x3f: {  	_ =	shalt  }
0x40: {  	_ =	shalt  }
0x41: {  	_ =	shalt  }
0x42: {  	_ =	shalt  }
0x43: {  	_ =	shalt  }
0x44: {  	_ =	shalt  }
0x45: {  	_ =	shalt  }
0x46: {  	_ =	shalt  }
0x47: {  	_ =	shalt  }
0x48: {  	_ =	shalt  }
0x49: {  	_ =	shalt  }
0x4a: {  	_ =	shalt  }
0x4b: {  	_ =	shalt  }
0x4c: {  	_ =	shalt  }
0x4d: {  	_ =	shalt  }
0x4e: {  	_ =	shalt  }
0x4f: {  	_ =	shalt  }
0x50: {  	_ =	shalt  }
0x51: {  	_ =	shalt  }
0x52: {  	_ =	shalt  }
0x53: {  	_ =	shalt  }
0x54: {  	_ =	shalt  }
0x55: {  	_ =	shalt  }
0x56: {  	_ =	shalt  }
0x57: {  	_ =	shalt  }
0x58: {  	_ =	shalt  }
0x59: {  	_ =	shalt  }
0x5a: {  	_ =	shalt  }
0x5b: {  	_ =	shalt  }
0x5c: {  	_ =	shalt  }
0x5d: {  	_ =	shalt  }
0x5e: {  	_ =	shalt  }
0x5f: {  	_ =	shalt  }
0x60: {  	_ =	shalt  }
0x61: {  	_ =	shalt  }
0x62: {  	_ =	shalt  }
0x63: {  	_ =	shalt  }
0x64: {  	_ =	shalt  }
0x65: {  	_ =	shalt  }
0x66: {  	_ =	shalt  }
0x67: {  	_ =	shalt  }
0x68: {  	_ =	shalt  }
0x69: {  	_ =	shalt  }
0x6a: {  	_ =	shalt  }
0x6b: {  	_ =	shalt  }
0x6c: {  	_ =	shalt  }
0x6d: {  	_ =	shalt  }
0x6e: {  	_ =	shalt  }
0x6f: {  	_ =	shalt  }
0x70: {  	_ =	shalt  }
0x71: {  	_ =	shalt  }
0x72: {  	_ =	shalt  }
0x73: {  	_ =	shalt  }
0x74: {  	_ =	shalt  }
0x75: {  	_ =	shalt  }
0x76: {  	_ =	shalt  }
0x77: {  	_ =	shalt  }
0x78: {  	_ =	shalt  }
0x79: {  	_ =	shalt  }
0x7a: {  	_ =	shalt  }
0x7b: {  	_ =	shalt  }
0x7c: {  	_ =	shalt  }
0x7d: {  	_ =	shalt  }
0x7e: {  	_ =	shalt  }
0x7f: {  	_ =	shalt  }
0x80: {  	_ =	shalt  }
0x81: {  	_ =	shalt  }
0x82: {  	_ =	shalt  }
0x83: {  	_ =	shalt  }
0x84: {  	_ =	shalt  }
0x85: {  	_ =	shalt  }
0x86: {  	_ =	shalt  }
0x87: {  	_ =	shalt  }
.Lfunc_end0:
.L_simem_size_0:
called_computation_lowered:
.L_overlay_start_0:
0x88: {  	s2 =	sld [smem:$0x3FD9]  }
0x89: {  	s3 =	sld [smem:$0x3FFE];
	_ =	sdelay $0x1  }
0x8a: {  	s1 =	srdreg.scid  }
0x8b: {  	s0 =	sand.u32 $0x1, s1  }
0x8c: {  	s16 =	sshll.u32 s0, $0xA;
	s2 =	sadd.s32 s3, s2  }
0x8d: {  	s2 =	sadd.s32 s2, s16  }
0x8e: {  	[smem:$0x3FC3] =	sst s2  }
0x8f: {  	_ = 	snop  }
0x90: {  	(tm) =	ssettm $0x1  }
0x91: {  	s17 =	sld [smem:$0x3FFB];
	_ =	sdelay $0x3  }
0x92: {  	_ =	strace s17  }
0x93: {  	s2 =	sld [smem:$0x3FFC];
	_ =	sdelay $0x3  }
0x94: {  	_ =	strace s2  }
0x95: {  	s2 =	sld [smem:$0x3FFD];
	_ =	sdelay $0x3  }
0x96: {  	_ =	strace s2  }
0x97: {  	_ =	strace $0x8FFFFFFF  }
0x98: {  	s18 =	sld [smem:$0x3FDB];
	_ =	sdelay $0x1  }
0x99: {  	s19 =	simm.s32 $_scs_section_size  }
0x9a: {  	s4 =	simm.s32 $_size__tile_overlayer_lowered;
	s5 =	simm.s32 $_tile_overlayer_lowered  }
0x9b: {  	s22 =	simm.s32 $0x1BFF;
	s21 =	sshll.u32 s5, $0x1;
	s2 =	sadd.s32 s19, s18  }
0x9c: {  	s6 =	simm.s32 $0x0;
	s20 =	sshll.u32 s4, $0x1;
	s4 =	sadd.s32 s21, s2  }
0x9d: {  	[timem:s6], [sflag:s22] =	dma.local [hbm:s4], s20  }
0x9e: {  	_ =	swait.ge [sflag:s22], s20  }
0x9f: {  	s3 =	ssub.s32 $0x0, s20;
	[sflag:s22] =	ssyncset.done $0x0  }
0xa0: {  	[sflag:s22] =	ssyncadd.s32 s3;
	_ =	sdelay $0x1  }
0xa1: {  	s23 =	simm.s32 $0x1B8B  }
0xa2: {  	_ =	swait.ge [sflag:s23], $0x1  }
0xa3: {  	[sflag:s23] =	ssyncset.done $0x0  }
0xa4: {  	s25 =	simm.s32 $0x1B8E;
	s24 =	sld [smem:$0x3FFE];
	[sflag:s23] =	ssyncadd.s32 $0xFFFFFFFF  }
0xa5: {  	s26 =	simm.s32 $execute0_lowered;
	[smem:$0x3FD2] =	sst s25  }
0xa6: {  	s4 =	sshll.u32 s26, $0x1;
	_ =	strace $0x80000046;
	[dreg:$0x1] =	wrdreg $0xFFFFFFFF  }
0xa7: {  	s28 =	simm.s32 $_size_execute0_lowered;
	s2 =	sadd.s32 s2, s4;
	[dreg:$0x0] =	wrdreg $0x0  }
0xa8: {  	s4 =	sshll.u32 s28, $0x1;
	[dreg:$0x2] =	wrdreg s2  }
0xa9: {  	[dreg:$0x3] =	wrdreg s4  }
0xaa: {  	[dreg:$0x4] =	wrdreg $0xC0  }
0xab: {  	_ =	task [dreg:s6], $0x5FFFF  }
0xac: {  	[dreg:$0x1] =	wrdreg $0xFFFFFFFF  }
0xad: {  	[dreg:$0x0] =	wrdreg $0x60  }
0xae: {  	[dreg:$0x2] =	wrdreg s24  }
0xaf: {  	[dreg:$0x3] =	wrdreg $0x9  }
0xb0: {  	_ =	task.clear_ibuf [dreg:s6], $0x4FFFF;
	_ =	strace $0x90000046  }
0xb1: {  	s29 =	simm.s32 $0x9;
	_ =	strace $0x80000048  }
0xb2: {  	_ =	swait.ge [sflag:s29], $0x1  }
0xb3: {  	[sflag:s29] =	ssyncadd.s32 $0xFFFFFFFF  }
0xb4: {  	_ =	strace $0x90000048  }
0xb5: {  	_ =	sfence  }
0xb6: {  	s30 =	sld [smem:$0x0];
	_ =	sdelay $0x2  }
0xb7: {  	s31 =	sshll.u32 s1, $0xD;
	s1 =	sshrl.u32 s1, $0x2  }
0xb8: {  	s3 =	sand.u32 $0x4000, s31;
	s1 =	sadd.s32 s1, s30  }
0xb9: {  	s0 =	sor.u32 s3, s0;
	s1 =	sshll.u32 s1, $0x11  }
0xba: {  	s0 =	sor.u32 s1, s0  }
0xbb: {  	s0 =	sadd.s32 $0x8F2B, s0  }
0xbc: {  	[sflag:s0] =	ssyncadd.remote.s32 $0x1  }
0xbd: {  	_ =	sfence.sel $0xFFFF  }
0xbe: {  	[dreg:$0x0] =	wrdreg $0xFFFFFFFF;
	(pc) =	sbr.abs _section_cstart, $3  }
0xbf: {  	[dreg:$0x1] =	wrdreg $0xFFFFFFFF  }
0xc0: {  	_ =	task.clear_ibuf [dreg:s6], $0x2FFFF;
	_ =	strace $0x9FFFFFFF  }
0xc1: {  	(tm) =	ssettm $0x7FFFFFFF  }
tec
execute0_lowered:
.L_overlay_start_1:
0x0: {  	(tag) =	ssettag $0x1  }
0x1: {  	v0 =	vimm.s32 $0x8780;
	vm0 =	vcmask $0x300  }
0x2: {  	vm14 =	vcmask $0x704;
	v0 =	vsel vm0, $0x0, v0  }
0x3: {  	vm15 =	vcmask $0xB08;
	v0 =	vsel vm14, $0x80, v0  }
0x4: {  	vm4 =	vcmask $0xF0C;
	v0 =	vsel vm15, $0x100, v0  }
0x5: {  	vm5 =	vcmask $0x1310;
	v0 =	vsel vm4, $0x180, v0  }
0x6: {  	vm6 =	vcmask $0x1714;
	v0 =	vsel vm5, $0x200, v0  }
0x7: {  	vm7 =	vcmask $0x1B18;
	v0 =	vsel vm6, $0x280, v0  }
0x8: {  	vm8 =	vcmask $0x1F1C;
	s0 =	srdreg.scid;
	s2 =	stileid.u32;
	v0 =	vsel vm7, $0x300, v0  }
0x9: {  	vm9 =	vcmask $0x2320;
	s0 =	sand.u32 $0x1, s0;
	s3 =	sshll.u32 s2, $0x1;
	v0 =	vsel vm8, $0x380, v0  }
0xa: {  	s1 =	rddreg [dreg:$0x0];
	vm10 =	vcmask $0x2724;
	s2 =	simm.s32 $0x0;
	s3 =	sor.u32 s0, s3;
	v0 =	vsel vm9, $0x8400, v0  }
0xb: {  	vm11 =	vcmask $0x2B28;
	s6 =	sadd.s32 $0x19C00, s1;
	s0 =	ssub.s32 $0x2, s0;
	s4 =	smul.u32 $0xC00, s3;
	v1 =	vsel vm10, $0x8480, v0  }
0xc: {  	vm12 =	vcmask $0x2F2C;
	v2 =	vlaneseq.u32;
	[smem:$0x7FF] =	sst s2;
	s5 =	sshrl.u32 s0, $0x1;
	s31 =	smul.u32 $0x6, s3;
	v1 =	vsel vm11, $0x8500, v1  }
0xd: {  	vm13 =	vcmask $0x3330;
	v4 =	vimm.f32 $1.000000000e+00;
	_ =	strace $0x80000047;
	[dreg:$0x12] =	wrdreg s6;
	s0 =	ssub.s32 s0, s5;
	v3 =	vsel vm12, $0x8580, v1  }
0xe: {  	vm14 =	vcmask $0x3734;
	vm15 =	vcmask $0x3B38;
	s4 =	sadd.s32 s4, s1;
	s0 =	smax.u32 s0, $0x1;
	[dreg:$0x14] =	wrdreg s31;
	v3 =	vsel vm13, $0x8600, v3  }
0xf: {  	s30 =	sadd.s32 $0x1C00, s4;
	[dreg:$0x15] =	wrdreg s0;
	v1 =	vmul.u32 $0x100, v2;
	v2 =	vand.u32 $0x7, v2;
	v3 =	vsel vm14, $0x8680, v3  }
0x10: {  	s8 =	simm.s32 $0x6000;
	s1 =	simm.s32 $0x0;
	[dreg:$0x13] =	wrdreg s30;
	v0 =	vimm.f32 $0.0e+00;
	v2 =	vmul.u32 $0x80, v2;
	v3 =	vsel vm15, $0x8700, v3  }
.LBB2_1:
0x11: {  	s12 =	sand.u32 $0xFC00, s2;
	s10 =	sand.u32 $0x40, s2  }
0x12: {  	s16 =	sadd.s32 $0x6000, s12;
	s11 =	sor.u32 $0x30, s10  }
0x13: {  	[dreg:$0x16] =	wrdreg s1;
	s13 =	sor.u32 $0x10, s10;
	s3 =	sor.u32 s11, s16  }
0x14: {  	s4 =	sor.u32 s13, s16;
	[tilespmem:s3+$0x0] =	vst v0  }
0x15: {  	[tilespmem:s4+$0x180] =	vst v0  }
0x16: {  	[tilespmem:s4+$0x100] =	vst v0  }
0x17: {  	[tilespmem:s3+$0x80] =	vst v0  }
0x18: {  	[tilespmem:s4+$0x80] =	vst v0  }
0x19: {  	s5 =	sor.u32 s10, s16;
	[tilespmem:s3+$0x100] =	vst v0  }
0x1a: {  	[tilespmem:s5+$0x0] =	vst v0  }
0x1b: {  	[tilespmem:s5+$0x80] =	vst v0  }
0x1c: {  	[tilespmem:s4+$0x0] =	vst v0  }
0x1d: {  	[tilespmem:s3+$0x180] =	vst v0  }
0x1e: {  	s14 =	sor.u32 $0x20, s10;
	[tilespmem:s5+$0x100] =	vst v0  }
0x1f: {  	p0 =	por $0x0, $0x0;
	s0 =	simm.s32 $0x1;
	s1 =	sor.u32 s14, s16;
	[tilespmem:s5+$0x180] =	vst v0  }
0x20: {  	s0 =	simm.s32 @!p0 $0x0;
	[tilespmem:s1+$0x0] =	vst v0  }
0x21: {  	s0 =	sshll.u32 s0, $0x6;
	[tilespmem:s1+$0x80] =	vst v0  }
0x22: {  	s0 =	sadd.s32 $0x0, s0;
	[tilespmem:s1+$0x180] =	vst v0  }
0x23: {  	[tilespmem:s1+$0x100] =	vst v0;
	s6 =	sadd.s32 $0x10, s0;
	s25 =	sor.u32 $0x200, s0  }
0x24: {  	s19 =	sadd.s32 $0x30, s0;
	s7 =	sor.u32 $0x200, s6;
	[tilespmem:s25+$0x6000] =	vst v0  }
0x25: {  	s20 =	sor.u32 $0x200, s19;
	[tilespmem:s7+$0x6000] =	vst v0  }
0x26: {  	s17 =	sor.u32 $0x280, s6;
	[tilespmem:s20+$0x6000] =	vst v0  }
0x27: {  	s21 =	sor.u32 $0x280, s19;
	[tilespmem:s17+$0x6000] =	vst v0  }
0x28: {  	s20 =	sor.u32 $0x280, s0;
	[tilespmem:s21+$0x6000] =	vst v0  }
0x29: {  	s18 =	sor.u32 $0x300, s6;
	[tilespmem:s20+$0x6000] =	vst v0  }
0x2a: {  	s22 =	sor.u32 $0x300, s19;
	[tilespmem:s18+$0x6000] =	vst v0  }
0x2b: {  	s21 =	sor.u32 $0x300, s0;
	[tilespmem:s22+$0x6000] =	vst v0  }
0x2c: {  	s3 =	sor.u32 $0x380, s19;
	[tilespmem:s21+$0x6000] =	vst v0  }
0x2d: {  	s5 =	sadd.s32 $0xE400, s12;
	s28 =	sor.u32 $0x380, s6;
	[tilespmem:s3+$0x6000] =	vst v0  }
0x2e: {  	s23 =	sor.u32 s11, s5;
	[tilespmem:s28+$0x6000] =	vst v0  }
0x2f: {  	s9 =	sor.u32 s13, s5;
	[tilespmem:s23+$0x0] =	vst v0  }
0x30: {  	s4 =	sadd.s32 $0xE480, s12;
	s3 =	sadd.s32 $0x20, s0;
	s0 =	sor.u32 $0x380, s0;
	[tilespmem:s9+$0x0] =	vst v0  }
0x31: {  	s24 =	sor.u32 s11, s4;
	[tilespmem:s0+$0x6000] =	vst v0  }
0x32: {  	s26 =	sor.u32 $0x200, s3;
	[tilespmem:s24+$0x0] =	vst v0  }
0x33: {  	s15 =	sor.u32 s13, s4;
	[tilespmem:s26+$0x6000] =	vst v0  }
0x34: {  	s22 =	sor.u32 s10, s5;
	[tilespmem:s15+$0x0] =	vst v0  }
0x35: {  	s16 =	sadd.s32 $0xE500, s12;
	s30 =	sor.u32 $0x280, s3;
	[tilespmem:s22+$0x0] =	vst v0  }
0x36: {  	s17 =	sor.u32 s13, s16;
	[tilespmem:s30+$0x6000] =	vst v0  }
0x37: {  	s23 =	sor.u32 s10, s4;
	[tilespmem:s17+$0x0] =	vst v0  }
0x38: {  	s28 =	sor.u32 s11, s16;
	[tilespmem:s23+$0x0] =	vst v0  }
0x39: {  	s7 =	sor.u32 $0x300, s3;
	s9 =	sadd.s32 $0xE580, s12;
	[tilespmem:s28+$0x0] =	vst v0  }
0x3a: {  	s18 =	sor.u32 s13, s9;
	[tilespmem:s7+$0x6000] =	vst v0  }
0x3b: {  	s24 =	sor.u32 s10, s16;
	[tilespmem:s18+$0x0] =	vst v0  }
0x3c: {  	s1 =	sadd.s32 $0xE600, s12;
	s30 =	sor.u32 s11, s9;
	[tilespmem:s24+$0x0] =	vst v0  }
0x3d: {  	s19 =	sor.u32 s13, s1;
	[tilespmem:s30+$0x0] =	vst v0  }
0x3e: {  	s25 =	sor.u32 s10, s9;
	[tilespmem:s19+$0x0] =	vst v0  }
0x3f: {  	s3 =	sor.u32 $0x380, s3;
	[tilespmem:s25+$0x0] =	vst v0  }
0x40: {  	s22 =	sor.u32 s11, s1;
	[tilespmem:s3+$0x6000] =	vst v0  }
0x41: {  	s26 =	sor.u32 s10, s1;
	[tilespmem:s22+$0x0] =	vst v0  }
0x42: {  	s5 =	sor.u32 s14, s5;
	s15 =	sadd.s32 $0xE680, s12;
	[tilespmem:s26+$0x0] =	vst v0  }
0x43: {  	s17 =	sor.u32 s13, s15;
	[tilespmem:s5+$0x0] =	vst v0  }
0x44: {  	s6 =	sor.u32 s14, s4;
	s18 =	sadd.s32 $0xE700, s12;
	[tilespmem:s17+$0x0] =	vst v0  }
0x45: {  	s20 =	sor.u32 s13, s18;
	[tilespmem:s6+$0x0] =	vst v0  }
0x46: {  	s26 =	sor.u32 s11, s15;
	[tilespmem:s20+$0x0] =	vst v0  }
0x47: {  	s16 =	sor.u32 s14, s16;
	s19 =	sadd.s32 $0xE780, s12;
	[tilespmem:s26+$0x0] =	vst v0  }
0x48: {  	s21 =	sor.u32 s13, s19;
	[tilespmem:s16+$0x0] =	vst v0  }
0x49: {  	s30 =	sor.u32 s11, s18;
	[tilespmem:s21+$0x0] =	vst v0  }
0x4a: {  	s23 =	sor.u32 s14, s9;
	[tilespmem:s30+$0x0] =	vst v0  }
0x4b: {  	s1 =	sor.u32 s14, s1;
	[tilespmem:s23+$0x0] =	vst v0  }
0x4c: {  	s31 =	simm.s32 $0x0;
	s24 =	sor.u32 s14, s15;
	[tilespmem:s1+$0x0] =	vst v0  }
0x4d: {  	p0 =	por !p0, !p0;
	s29 =	sor.u32 s10, s15;
	s25 =	sor.u32 s14, s18;
	[tilespmem:s24+$0x0] =	vst v0  }
0x4e: {  	s3 =	sor.u32 s10, s18;
	s12 =	simm.s32 $0x40;
	s28 =	sor.u32 s14, s19;
	[tilespmem:s25+$0x0] =	vst v0  }
0x4f: {  	s0 =	sor.u32 s11, s19;
	s11 =	simm.s32 $0x200;
	s1 =	sor.u32 s10, s19;
	[tilespmem:s28+$0x0] =	vst v0  }
.LBB2_2:
0x50: {  	[tilespmem:s29+$0x0] =	vst v0  }
0x51: {  	s15 =	sand.u32 $0xFC00, s11;
	s13 =	sand.u32 $0x40, s12;
	[tilespmem:s0+$0x0] =	vst v0  }
0x52: {  	[tilespmem:s3+$0x0] =	vst v0;
	s7 =	sadd.s32 $0x6000, s15;
	s14 =	sor.u32 $0x30, s13  }
0x53: {  	s17 =	sor.u32 $0x10, s13;
	[tilespmem:s1+$0x0] =	vst v0;
	s1 =	sor.u32 s14, s7  }
0x54: {  	s6 =	sor.u32 s17, s7;
	[tilespmem:s1+$0x0] =	vst v0  }
0x55: {  	[tilespmem:s6+$0x180] =	vst v0  }
0x56: {  	[tilespmem:s6+$0x100] =	vst v0  }
0x57: {  	[tilespmem:s1+$0x80] =	vst v0  }
0x58: {  	[tilespmem:s6+$0x80] =	vst v0  }
0x59: {  	s23 =	sor.u32 s13, s7;
	[tilespmem:s1+$0x100] =	vst v0  }
0x5a: {  	[tilespmem:s23+$0x0] =	vst v0  }
0x5b: {  	[tilespmem:s23+$0x80] =	vst v0  }
0x5c: {  	[tilespmem:s6+$0x0] =	vst v0  }
0x5d: {  	s5 =	sadd.s32 $0xE480, s15;
	[tilespmem:s1+$0x180] =	vst v0  }
0x5e: {  	s16 =	sor.u32 $0x20, s13;
	s3 =	sor.u32 s17, s5;
	[tilespmem:s23+$0x100] =	vst v0  }
0x5f: {  	s4 =	simm.s32 $0x1;
	[dreg:$0x6] =	wrdreg s3;
	s3 =	sor.u32 s16, s7;
	[tilespmem:s23+$0x180] =	vst v0  }
0x60: {  	s4 =	simm.s32 @!p0 $0x0;
	[tilespmem:s3+$0x0] =	vst v0  }
0x61: {  	s24 =	sadd.s32 $0xE400, s15;
	s4 =	sshll.u32 s4, $0x6;
	[tilespmem:s3+$0x80] =	vst v0  }
0x62: {  	s25 =	sor.u32 s13, s24;
	s20 =	sor.u32 s16, s5;
	s4 =	sadd.s32 s4, s11;
	[tilespmem:s3+$0x180] =	vst v0  }
0x63: {  	[dreg:$0x4] =	wrdreg s20;
	s18 =	sadd.s32 $0x10, s4;
	s20 =	sor.u32 $0x200, s4;
	[tilespmem:s3+$0x100] =	vst v0  }
0x64: {  	s26 =	sor.u32 s14, s24;
	s9 =	sadd.s32 $0x30, s4;
	s19 =	sor.u32 $0x200, s18;
	[tilespmem:s20+$0x6000] =	vst v0  }
0x65: {  	s28 =	sor.u32 s16, s24;
	[dreg:$0x3] =	wrdreg s25;
	s25 =	sor.u32 $0x200, s9;
	[tilespmem:s19+$0x6000] =	vst v0  }
0x66: {  	s30 =	sor.u32 s14, s5;
	[dreg:$0xc] =	wrdreg s26;
	s22 =	sor.u32 $0x280, s18;
	[tilespmem:s25+$0x6000] =	vst v0  }
0x67: {  	s10 =	sor.u32 s13, s5;
	[dreg:$0x2] =	wrdreg s28;
	s5 =	sor.u32 $0x280, s9;
	[tilespmem:s22+$0x6000] =	vst v0  }
0x68: {  	s0 =	sor.u32 s17, s24;
	[dreg:$0xe] =	wrdreg s30;
	s24 =	sor.u32 $0x300, s18;
	[tilespmem:s5+$0x6000] =	vst v0  }
0x69: {  	[dreg:$0x5] =	wrdreg s10;
	s21 =	sadd.s32 $0x20, s4;
	s1 =	sor.u32 $0x300, s9;
	[tilespmem:s24+$0x6000] =	vst v0  }
0x6a: {  	s26 =	sor.u32 $0x280, s4;
	s10 =	sor.u32 $0x380, s9;
	s6 =	sor.u32 $0x280, s21;
	[tilespmem:s1+$0x6000] =	vst v0  }
0x6b: {  	s7 =	sor.u32 $0x300, s21;
	s24 =	sor.u32 $0x380, s21;
	s21 =	sor.u32 $0x200, s21;
	[tilespmem:s10+$0x6000] =	vst v0  }
0x6c: {  	[dreg:$0xd] =	wrdreg s26;
	s26 =	sor.u32 $0x380, s18;
	[tilespmem:s21+$0x6000] =	vst v0  }
0x6d: {  	s10 =	rddreg [dreg:$0xc];
	[tilespmem:s26+$0x6000] =	vst v0  }
0x6e: {  	[dreg:$0x7] =	wrdreg s0;
	[tilespmem:s10+$0x0] =	vst v0  }
0x6f: {  	s21 =	rddreg [dreg:$0xd];
	[tilespmem:s6+$0x6000] =	vst v0  }
0x70: {  	s28 =	sor.u32 $0x300, s4;
	s1 =	rddreg [dreg:$0xe];
	[tilespmem:s21+$0x6000] =	vst v0  }
0x71: {  	[dreg:$0xf] =	wrdreg s28;
	[tilespmem:s1+$0x0] =	vst v0  }
0x72: {  	s10 =	rddreg [dreg:$0x7];
	[tilespmem:s7+$0x6000] =	vst v0  }
0x73: {  	s26 =	rddreg [dreg:$0xf];
	[tilespmem:s10+$0x0] =	vst v0  }
0x74: {  	s20 =	rddreg [dreg:$0x6];
	[tilespmem:s26+$0x6000] =	vst v0  }
0x75: {  	s30 =	sadd.s32 $0xE500, s15;
	s0 =	sadd.s32 $0xE600, s15;
	s28 =	sor.u32 $0x380, s4;
	[tilespmem:s20+$0x0] =	vst v0  }
0x76: {  	s23 =	sor.u32 s14, s30;
	s18 =	sor.u32 s17, s30;
	s19 =	sor.u32 s13, s30;
	[tilespmem:s28+$0x6000] =	vst v0  }
0x77: {  	s22 =	sor.u32 s16, s30;
	[dreg:$0x11] =	wrdreg s24;
	s24 =	sadd.s32 $0xE580, s15;
	[tilespmem:s23+$0x0] =	vst v0  }
0x78: {  	s30 =	sor.u32 s14, s0;
	[dreg:$0x9] =	wrdreg s22;
	s22 =	sor.u32 s14, s24;
	[tilespmem:s18+$0x0] =	vst v0  }
0x79: {  	[dreg:$0xa] =	wrdreg s30;
	s4 =	sor.u32 s17, s24;
	[tilespmem:s22+$0x0] =	vst v0  }
0x7a: {  	s26 =	rddreg [dreg:$0xa];
	[tilespmem:s4+$0x0] =	vst v0  }
0x7b: {  	[dreg:$0x10] =	wrdreg s19;
	s30 =	sor.u32 s17, s0;
	[tilespmem:s26+$0x0] =	vst v0  }
0x7c: {  	s4 =	rddreg [dreg:$0x11];
	[tilespmem:s30+$0x0] =	vst v0  }
0x7d: {  	s29 =	sadd.s32 $0xE680, s15;
	s30 =	rddreg [dreg:$0x3];
	[tilespmem:s4+$0x6000] =	vst v0  }
0x7e: {  	s25 =	sor.u32 s14, s29;
	s6 =	rddreg [dreg:$0x2];
	[tilespmem:s30+$0x0] =	vst v0  }
0x7f: {  	[dreg:$0x8] =	wrdreg s25;
	s5 =	sor.u32 s17, s29;
	[tilespmem:s6+$0x0] =	vst v0  }
0x80: {  	s1 =	rddreg [dreg:$0x5];
	[tilespmem:s5+$0x0] =	vst v0  }
0x81: {  	s7 =	rddreg [dreg:$0x4];
	[tilespmem:s1+$0x0] =	vst v0  }
0x82: {  	s30 =	rddreg [dreg:$0x8];
	[tilespmem:s7+$0x0] =	vst v0  }
0x83: {  	s3 =	rddreg [dreg:$0x10];
	[tilespmem:s30+$0x0] =	vst v0  }
0x84: {  	s19 =	sor.u32 s13, s24;
	s24 =	sor.u32 s16, s24;
	s10 =	rddreg [dreg:$0x9];
	[tilespmem:s3+$0x0] =	vst v0  }
0x85: {  	[dreg:$0xb] =	wrdreg s24;
	[tilespmem:s10+$0x0] =	vst v0  }
0x86: {  	s28 =	rddreg [dreg:$0xb];
	[tilespmem:s19+$0x0] =	vst v0  }
0x87: {  	s9 =	sor.u32 s13, s0;
	[tilespmem:s28+$0x0] =	vst v0  }
0x88: {  	s24 =	sor.u32 s16, s0;
	[tilespmem:s9+$0x0] =	vst v0  }
0x89: {  	s31 =	sadd.s32 $0x4, s31;
	s25 =	sor.u32 s16, s29;
	s9 =	sadd.s32 $0xE700, s15;
	[tilespmem:s24+$0x0] =	vst v0  }
0x8a: {  	p1 =	slt.u32 s31, $0x104;
	s19 =	sor.u32 s17, s9;
	[tilespmem:s25+$0x0] =	vst v0  }
.Ltmp0:
0x8b: {  	s20 =	sor.u32 s16, s9;
	[tilespmem:s19+$0x0] =	vst v0;
	(pc) =	sbr.rel @p1 .LBB2_2-.Ltmp0, $4  }
0x8c: {  	s18 =	sadd.s32 $0xE780, s15;
	s23 =	sor.u32 s14, s9;
	[tilespmem:s20+$0x0] =	vst v0  }
0x8d: {  	s12 =	sadd.s32 $0x40, s12;
	p0 =	por !p0, !p0;
	s21 =	sor.u32 s17, s18;
	[tilespmem:s23+$0x0] =	vst v0  }
0x8e: {  	s11 =	sadd.s32 $0x200, s11;
	s29 =	sor.u32 s13, s29;
	s22 =	sor.u32 s16, s18;
	[tilespmem:s21+$0x0] =	vst v0  }
0x8f: {  	s0 =	sor.u32 s14, s18;
	s1 =	sor.u32 s13, s18;
	s3 =	sor.u32 s13, s9;
	[tilespmem:s22+$0x0] =	vst v0  }
0x90: {  	[tilespmem:s29+$0x0] =	vst v0  }
0x91: {  	[tilespmem:s0+$0x0] =	vst v0  }
0x92: {  	[tilespmem:s3+$0x0] =	vst v0  }
0x93: {  	[tilespmem:s1+$0x0] =	vst v0  }
0x94: {  	s10 =	simm.s32 $0x0;
	s5 =	simm.s32 $0x1;
	s0 =	rddreg [dreg:$0x13]  }
0x95: {  	[tilespmem:s10], [sflag:$0x1] =	stream.linear.gather [hbm4b:s0+s10], $0x6000, $0x38;
	[tilespmem:$0x16800] =	vst v63  }
0x96: {  	_ =	swait.ge [sflag:s5], $0x6000  }
0x97: {  	[sflag:s5] =	ssyncset.done $0x0;
	s6 =	rddreg [dreg:$0x12]  }
0x98: {  	s11 =	simm.s32 $0x0;
	s4 =	rddreg [dreg:$0x14];
	[sflag:s5] =	ssyncadd.s32 $0xFFFFA000  }
.LBB2_4:
0x99: {  	s0 =	sshll.u32 s11, $0x4  }
0x9a: {  	v6 =	vmov s10;
	s26 =	simm.s32 $0x7;
	v5 =	vmov s0  }
0x9b: {  	v7 =	vshll.u32 v6, $0x3;
	v8 =	vmov s26;
	v6 =	vand.u32 $0x78, v6  }
0x9c: {  	v5 =	vshll.u32 v5, $0x8;
	v7 =	vand.u32 $0x400, v7;
	v9 =	vshll.u32 v8, $0x3  }
0x9d: {  	s28 =	simm.s32 $0x6;
	v5 =	vor.u32 v1, v5;
	v6 =	vor.u32 v7, v6;
	v7 =	vand.u32 $0x7F, v8  }
0x9e: {  	s1 =	simm.s32 $0x5;
	v8 =	vand.u32 $0x400, v9;
	v9 =	vmov s28;
	v5 =	vand.u32 $0x7800, v5  }
0x9f: {  	v7 =	vor.u32 v8, v7;
	v8 =	vmov s1;
	v10 =	vshll.u32 v9, $0x3  }
0xa0: {  	v9 =	vand.u32 $0x7E, v9;
	v5 =	vor.u32 v2, v5;
	v10 =	vand.u32 $0x400, v10  }
0xa1: {  	s29 =	simm.s32 $0x4;
	v6 =	vor.u32 v5, v6;
	v13 =	vor.u32 v5, v7;
	v7 =	vshll.u32 v8, $0x3  }
0xa2: {  	v8 =	vand.u32 $0x7D, v8;
	v9 =	vor.u32 v10, v9;
	v10 =	vmov s29  }
0xa3: {  	s30 =	simm.s32 $0x3;
	v7 =	vand.u32 $0x400, v7;
	v11 =	vshll.u32 v10, $0x3;
	v10 =	vand.u32 $0x7C, v10  }
0xa4: {  	v7 =	vor.u32 v7, v8;
	v8 =	vor.u32 v5, v9;
	v9 =	vmov s30  }
0xa5: {  	v11 =	vand.u32 $0x400, v11;
	v7 =	vor.u32 v5, v7;
	v12 =	vshll.u32 v9, $0x3  }
0xa6: {  	s31 =	simm.s32 $0x2;
	v9 =	vand.u32 $0x7B, v9;
	v10 =	vor.u32 v11, v10;
	v12 =	vand.u32 $0x400, v12;
	v6 =	vld.idx.msk [tilespmem:v6+s2+$0x0], $0xffff  }
0xa7: {  	s12 =	simm.s32 $0x8;
	s0 =	simm.s32 $0x1;
	v11 =	vmov s31;
	v10 =	vor.u32 v5, v10;
	v12 =	vor.u32 v12, v9;
	v9 =	vld.idx.msk [tilespmem:v13+s2+$0x0], $0xffff  }
.LBB2_5:
0xa8: {  	p0 =	slt.u32 s12, $0xC0;
	v13 =	vmov s0;
	v14 =	vshll.u32 v11, $0x3;
	v12 =	vor.u32 v5, v12  }
0xa9: {  	v11 =	vand.u32 $0x7A, v11;
	v15 =	vshll.u32 v13, $0x3;
	v14 =	vand.u32 $0x400, v14;
	v8 =	vld.idx.msk [tilespmem:v8+s2+$0x0], $0xffff  }
0xaa: {  	v13 =	vand.u32 $0x79, v13;
	v15 =	vand.u32 $0x400, v15;
	v11 =	vor.u32 v14, v11;
	v7 =	vld.idx.msk [tilespmem:v7+s2+$0x0], $0xffff  }
0xab: {  	v13 =	vor.u32 v15, v13;
	v11 =	vor.u32 v5, v11  }
0xac: {  	v14 =	vshll.u32 v6, $0x3;
	v13 =	vor.u32 v5, v13;
	v10 =	vld.idx.msk [tilespmem:v10+s2+$0x0], $0xffff  }
0xad: {  	v6 =	vand.u32 $0x7F, v6;
	v14 =	vand.u32 $0xFFFFFC00, v14;
	v15 =	vshll.u32 v9, $0x3;
	v12 =	vld.idx.msk [tilespmem:v12+s2+$0x0], $0xffff  }
0xae: {  	v9 =	vand.u32 $0x7F, v9;
	v6 =	vor.u32 v6, v14;
	v14 =	vand.u32 $0xFFFFFC00, v15  }
0xaf: {  	v6 =	vadd.s32 v3, v6;
	v15 =	vshll.u32 v8, $0x3;
	v9 =	vor.u32 v9, v14  }
0xb0: {  	v8 =	vand.u32 $0x7F, v8;
	v14 =	vshll.u32 v7, $0x3;
	v15 =	vand.u32 $0xFFFFFC00, v15;
	v11 =	vld.idx.msk [tilespmem:v11+s2+$0x0], $0xffff  }
0xb1: {  	v7 =	vand.u32 $0x7F, v7;
	v14 =	vand.u32 $0xFFFFFC00, v14;
	v8 =	vor.u32 v8, v15;
	v13 =	vld.idx.msk [tilespmem:v13+s2+$0x0], $0xffff  }
0xb2: {  	v9 =	vadd.s32 v3, v9;
	v7 =	vor.u32 v7, v14;
	v8 =	vadd.s32 v3, v8  }
0xb3: {  	v15 =	vand.u32 $0x7F, v10;
	v10 =	vshll.u32 v10, $0x3;
	v14 =	vshll.u32 v12, $0x3  }
0xb4: {  	v12 =	vand.u32 $0x7F, v12;
	v10 =	vand.u32 $0xFFFFFC00, v10;
	v14 =	vand.u32 $0xFFFFFC00, v14  }
0xb5: {  	v7 =	vadd.s32 v3, v7;
	v10 =	vor.u32 v15, v10;
	v12 =	vor.u32 v12, v14  }
0xb6: {  	v10 =	vadd.s32 v3, v10;
	v14 =	vshll.u32 v11, $0x3;
	v12 =	vadd.s32 v3, v12  }
0xb7: {  	v11 =	vand.u32 $0x7F, v11;
	v15 =	vshll.u32 v13, $0x3;
	v14 =	vand.u32 $0xFFFFFC00, v14  }
0xb8: {  	v11 =	vor.u32 v11, v14;
	[tilespmem:v6+s8+$0x0] =	vst.idx.add.f32.msk $0xffff, v4;
	v6 =	vand.u32 $0x7F, v13;
	v13 =	vand.u32 $0xFFFFFC00, v15  }
0xb9: {  	s0 =	sadd.s32 $0x7, s12;
	v14 =	vmov s12;
	v11 =	vadd.s32 v3, v11;
	v6 =	vor.u32 v6, v13;
	[tilespmem:v9+s8+$0x0] =	vst.idx.add.f32.msk $0xffff, v4  }
0xba: {  	v9 =	vshll.u32 v14, $0x3;
	v13 =	vmov s0;
	v6 =	vadd.s32 v3, v6;
	[tilespmem:v8+s8+$0x0] =	vst.idx.add.f32.msk $0xffff, v4  }
0xbb: {  	v8 =	vand.u32 $0x78, v14;
	v9 =	vand.u32 $0x400, v9;
	v14 =	vshll.u32 v13, $0x3;
	[tilespmem:v7+s8+$0x0] =	vst.idx.add.f32.msk $0xffff, v4  }
0xbc: {  	s0 =	sadd.s32 $0x6, s12;
	v7 =	vor.u32 v9, v8;
	v8 =	vand.u32 $0x7F, v13;
	v9 =	vand.u32 $0x400, v14;
	[tilespmem:v10+s8+$0x0] =	vst.idx.add.f32.msk $0xffff, v4  }
0xbd: {  	s1 =	sadd.s32 $0x5, s12;
	v10 =	vor.u32 v5, v7;
	v7 =	vmov s0;
	v8 =	vor.u32 v9, v8;
	[tilespmem:v12+s8+$0x0] =	vst.idx.add.f32.msk $0xffff, v4  }
0xbe: {  	v9 =	vmov s1;
	v12 =	vshll.u32 v7, $0x3;
	v13 =	vor.u32 v5, v8;
	[tilespmem:v11+s8+$0x0] =	vst.idx.add.f32.msk $0xffff, v4  }
0xbf: {  	v8 =	vshll.u32 v9, $0x3;
	v7 =	vand.u32 $0x7E, v7;
	v11 =	vand.u32 $0x400, v12;
	[tilespmem:v6+s8+$0x0] =	vst.idx.add.f32.msk $0xffff, v4  }
0xc0: {  	s0 =	sadd.s32 $0x4, s12;
	v8 =	vand.u32 $0x400, v8;
	v6 =	vand.u32 $0x7D, v9;
	v7 =	vor.u32 v11, v7  }
.Ltmp1:
0xc1: {  	s1 =	sadd.s32 $0x3, s12;
	v9 =	vmov s0;
	v6 =	vor.u32 v8, v6;
	v8 =	vor.u32 v5, v7;
	(pc) =	sbr.rel @p0 .LBB2_5-.Ltmp1, $4  }
0xc2: {  	v11 =	vmov s1;
	v12 =	vshll.u32 v9, $0x3;
	v7 =	vor.u32 v5, v6  }
0xc3: {  	v14 =	vshll.u32 v11, $0x3;
	v9 =	vand.u32 $0x7C, v9;
	v12 =	vand.u32 $0x400, v12  }
0xc4: {  	s1 =	sadd.s32 $0x2, s12;
	v14 =	vand.u32 $0x400, v14;
	v9 =	vor.u32 v12, v9;
	v6 =	vld.idx.msk [tilespmem:v10+s2+$0x0], $0xffff;
	v10 =	vand.u32 $0x7B, v11  }
0xc5: {  	s0 =	sadd.s32 $0x1, s12;
	s12 =	sadd.s32 $0x8, s12;
	v11 =	vmov s1;
	v12 =	vor.u32 v14, v10;
	v10 =	vor.u32 v5, v9;
	v9 =	vld.idx.msk [tilespmem:v13+s2+$0x0], $0xffff  }
0xc6: {  	_ =	sdelay $0x2  }
0xc7: {  	v13 =	vmov s0;
	v14 =	vshll.u32 v11, $0x3;
	v12 =	vor.u32 v5, v12  }
0xc8: {  	v11 =	vand.u32 $0x7A, v11;
	v8 =	vld.idx.msk [tilespmem:v8+s2+$0x0], $0xffff;
	v15 =	vshll.u32 v13, $0x3;
	v14 =	vand.u32 $0x400, v14  }
0xc9: {  	v7 =	vld.idx.msk [tilespmem:v7+s2+$0x0], $0xffff;
	v13 =	vand.u32 $0x79, v13;
	v15 =	vand.u32 $0x400, v15;
	v11 =	vor.u32 v14, v11  }
0xca: {  	v13 =	vor.u32 v15, v13;
	v11 =	vor.u32 v5, v11;
	v14 =	vshll.u32 v6, $0x3  }
0xcb: {  	v10 =	vld.idx.msk [tilespmem:v10+s2+$0x0], $0xffff;
	v6 =	vand.u32 $0x7F, v6;
	v13 =	vor.u32 v5, v13;
	v14 =	vand.u32 $0xFFFFFC00, v14  }
0xcc: {  	v15 =	vshll.u32 v9, $0x3;
	v9 =	vand.u32 $0x7F, v9;
	v6 =	vor.u32 v6, v14  }
0xcd: {  	v12 =	vld.idx.msk [tilespmem:v12+s2+$0x0], $0xffff;
	v14 =	vand.u32 $0xFFFFFC00, v15;
	v15 =	vshll.u32 v8, $0x3;
	v8 =	vand.u32 $0x7F, v8  }
0xce: {  	v6 =	vadd.s32 v3, v6;
	v9 =	vor.u32 v9, v14;
	v14 =	vshll.u32 v7, $0x3  }
0xcf: {  	v15 =	vand.u32 $0xFFFFFC00, v15;
	v7 =	vand.u32 $0x7F, v7;
	v9 =	vadd.s32 v3, v9  }
0xd0: {  	v8 =	vor.u32 v8, v15;
	v15 =	vand.u32 $0x7F, v10;
	v10 =	vshll.u32 v10, $0x3;
	v11 =	vld.idx.msk [tilespmem:v11+s2+$0x0], $0xffff  }
0xd1: {  	v14 =	vand.u32 $0xFFFFFC00, v14;
	v8 =	vadd.s32 v3, v8;
	v10 =	vand.u32 $0xFFFFFC00, v10;
	v13 =	vld.idx.msk [tilespmem:v13+s2+$0x0], $0xffff  }
0xd2: {  	v7 =	vor.u32 v7, v14;
	v10 =	vor.u32 v15, v10;
	v14 =	vshll.u32 v12, $0x3  }
0xd3: {  	s1 =	simm.s32 $0x7;
	v7 =	vadd.s32 v3, v7;
	v12 =	vand.u32 $0x7F, v12;
	v14 =	vand.u32 $0xFFFFFC00, v14  }
0xd4: {  	v10 =	vadd.s32 v3, v10;
	v12 =	vor.u32 v12, v14;
	[tilespmem:v9+s8+$0x0] =	vst.idx.add.f32.msk $0xffff, v4;
	v9 =	vmov s1  }
0xd5: {  	s25 =	simm.s32 $0x0;
	v14 =	vshll.u32 v11, $0x3;
	v12 =	vadd.s32 v3, v12;
	v11 =	vand.u32 $0x7F, v11  }
0xd6: {  	[tilespmem:v8+s8+$0x0] =	vst.idx.add.f32.msk $0xffff, v4;
	v8 =	vmov s25;
	v15 =	vshll.u32 v13, $0x3;
	v14 =	vand.u32 $0xFFFFFC00, v14  }
0xd7: {  	[tilespmem:v6+s8+$0x0] =	vst.idx.add.f32.msk $0xffff, v4;
	v6 =	vand.u32 $0x7F, v13;
	v13 =	vand.u32 $0xFFFFFC00, v15;
	v11 =	vor.u32 v11, v14  }
0xd8: {  	[tilespmem:v7+s8+$0x0] =	vst.idx.add.f32.msk $0xffff, v4;
	v7 =	vshll.u32 v8, $0x3;
	v6 =	vor.u32 v6, v13;
	v11 =	vadd.s32 v3, v11  }
0xd9: {  	v8 =	vand.u32 $0x78, v8;
	[tilespmem:v10+s8+$0x0] =	vst.idx.add.f32.msk $0xffff, v4;
	v10 =	vshll.u32 v9, $0x3;
	v6 =	vadd.s32 v3, v6  }
0xda: {  	s28 =	simm.s32 $0x5;
	v7 =	vand.u32 $0x400, v7;
	v9 =	vand.u32 $0x7F, v9;
	v10 =	vand.u32 $0x400, v10  }
0xdb: {  	s26 =	sadd.s32 s4, s11;
	v13 =	vmov s28;
	v7 =	vor.u32 v7, v8;
	v8 =	vor.u32 v10, v9  }
0xdc: {  	s3 =	simm.s32 $0x6;
	s1 =	smul.u32 $0x2100, s26;
	[tilespmem:v12+s8+$0x0] =	vst.idx.add.f32.msk $0xffff, v4;
	v9 =	vor.u32 v5, v8;
	v8 =	vshll.u32 v13, $0x3  }
0xdd: {  	v12 =	vmov s3;
	v8 =	vand.u32 $0x400, v8;
	[tilespmem:v11+s8+$0x0] =	vst.idx.add.f32.msk $0xffff, v4  }
0xde: {  	s29 =	simm.s32 $0x4;
	s30 =	simm.s32 $0x3;
	s1 =	sadd.s32 s6, s1;
	v11 =	vand.u32 $0x7D, v13;
	[tilespmem:v6+s8+$0x0] =	vst.idx.add.f32.msk $0xffff, v4;
	v6 =	vor.u32 v5, v7;
	v7 =	vshll.u32 v12, $0x3  }
0xdf: {  	v10 =	vand.u32 $0x7E, v12;
	v11 =	vor.u32 v8, v11;
	[hbm4b:s1+s25] =	stream.linear.scatter [tilespmem:s8], [sflag:$0x1], $0x10800, $0x38;
	v7 =	vand.u32 $0x400, v7;
	[tilespmem:$0x16800] =	vst v63  }
0xe0: {  	v12 =	vmov s30;
	v7 =	vor.u32 v7, v10;
	_ =	swait.ge [sflag:s5], $0x10800;
	v10 =	vmov s29  }
0xe1: {  	v8 =	vor.u32 v5, v7;
	[sflag:s5] =	ssyncset.done $0x0;
	v13 =	vshll.u32 v10, $0x3;
	v7 =	vor.u32 v5, v11  }
0xe2: {  	v11 =	vshll.u32 v12, $0x3;
	v10 =	vand.u32 $0x7C, v10;
	[sflag:s5] =	ssyncadd.s32 $0xFFFEF800;
	v13 =	vand.u32 $0x400, v13  }
0xe3: {  	s31 =	simm.s32 $0x2;
	v12 =	vand.u32 $0x7B, v12;
	v14 =	vand.u32 $0x400, v11;
	v6 =	vld.idx.msk [tilespmem:v6+s2+$0x0], $0xffff;
	v10 =	vor.u32 v13, v10  }
0xe4: {  	s0 =	simm.s32 $0x1;
	s12 =	simm.s32 $0x8;
	v11 =	vmov s31;
	v12 =	vor.u32 v14, v12;
	v9 =	vld.idx.msk [tilespmem:v9+s2+$0x0], $0xffff;
	v10 =	vor.u32 v5, v10  }
.LBB2_7:
0xe5: {  	p0 =	slt.u32 s12, $0xC0;
	v13 =	vmov s0;
	v14 =	vshll.u32 v11, $0x3;
	v12 =	vor.u32 v5, v12  }
0xe6: {  	v11 =	vand.u32 $0x7A, v11;
	v15 =	vshll.u32 v13, $0x3;
	v14 =	vand.u32 $0x400, v14;
	v8 =	vld.idx.msk [tilespmem:v8+s2+$0x0], $0xffff  }
0xe7: {  	v13 =	vand.u32 $0x79, v13;
	v15 =	vand.u32 $0x400, v15;
	v11 =	vor.u32 v14, v11;
	v7 =	vld.idx.msk [tilespmem:v7+s2+$0x0], $0xffff  }
0xe8: {  	v13 =	vor.u32 v15, v13;
	v11 =	vor.u32 v5, v11  }
0xe9: {  	v14 =	vshll.u32 v6, $0x3;
	v13 =	vor.u32 v5, v13;
	v10 =	vld.idx.msk [tilespmem:v10+s2+$0x0], $0xffff  }
0xea: {  	v6 =	vand.u32 $0x7F, v6;
	v14 =	vand.u32 $0xFFFFFC00, v14;
	v15 =	vshll.u32 v9, $0x3;
	v12 =	vld.idx.msk [tilespmem:v12+s2+$0x0], $0xffff  }
0xeb: {  	v9 =	vand.u32 $0x7F, v9;
	v6 =	vor.u32 v6, v14;
	v14 =	vand.u32 $0xFFFFFC00, v15  }
0xec: {  	v6 =	vadd.s32 v3, v6;
	v15 =	vshll.u32 v8, $0x3;
	v9 =	vor.u32 v9, v14  }
0xed: {  	v8 =	vand.u32 $0x7F, v8;
	v14 =	vshll.u32 v7, $0x3;
	v15 =	vand.u32 $0xFFFFFC00, v15;
	v11 =	vld.idx.msk [tilespmem:v11+s2+$0x0], $0xffff  }
0xee: {  	v7 =	vand.u32 $0x7F, v7;
	v14 =	vand.u32 $0xFFFFFC00, v14;
	v8 =	vor.u32 v8, v15;
	v13 =	vld.idx.msk [tilespmem:v13+s2+$0x0], $0xffff  }
0xef: {  	v9 =	vadd.s32 v3, v9;
	v7 =	vor.u32 v7, v14;
	v8 =	vadd.s32 v3, v8  }
0xf0: {  	v15 =	vand.u32 $0x7F, v10;
	v10 =	vshll.u32 v10, $0x3;
	v14 =	vshll.u32 v12, $0x3  }
0xf1: {  	v12 =	vand.u32 $0x7F, v12;
	v10 =	vand.u32 $0xFFFFFC00, v10;
	v14 =	vand.u32 $0xFFFFFC00, v14  }
0xf2: {  	v7 =	vadd.s32 v3, v7;
	v10 =	vor.u32 v15, v10;
	v12 =	vor.u32 v12, v14  }
0xf3: {  	v10 =	vadd.s32 v3, v10;
	v14 =	vshll.u32 v11, $0x3;
	v12 =	vadd.s32 v3, v12  }
0xf4: {  	v11 =	vand.u32 $0x7F, v11;
	v15 =	vshll.u32 v13, $0x3;
	v14 =	vand.u32 $0xFFFFFC00, v14  }
0xf5: {  	v11 =	vor.u32 v11, v14;
	[tilespmem:v6+s8+$0x0] =	vst.idx.msk $0xffff, v0;
	v6 =	vand.u32 $0x7F, v13;
	v13 =	vand.u32 $0xFFFFFC00, v15  }
0xf6: {  	s0 =	sadd.s32 $0x7, s12;
	v14 =	vmov s12;
	v11 =	vadd.s32 v3, v11;
	v6 =	vor.u32 v6, v13;
	[tilespmem:v9+s8+$0x0] =	vst.idx.msk $0xffff, v0  }
0xf7: {  	v9 =	vshll.u32 v14, $0x3;
	v13 =	vmov s0;
	v6 =	vadd.s32 v3, v6;
	[tilespmem:v8+s8+$0x0] =	vst.idx.msk $0xffff, v0  }
0xf8: {  	v8 =	vand.u32 $0x78, v14;
	v9 =	vand.u32 $0x400, v9;
	v14 =	vshll.u32 v13, $0x3;
	[tilespmem:v7+s8+$0x0] =	vst.idx.msk $0xffff, v0  }
0xf9: {  	s0 =	sadd.s32 $0x6, s12;
	v7 =	vor.u32 v9, v8;
	v8 =	vand.u32 $0x7F, v13;
	v9 =	vand.u32 $0x400, v14;
	[tilespmem:v10+s8+$0x0] =	vst.idx.msk $0xffff, v0  }
0xfa: {  	s1 =	sadd.s32 $0x5, s12;
	v10 =	vor.u32 v5, v7;
	v7 =	vmov s0;
	v8 =	vor.u32 v9, v8;
	[tilespmem:v12+s8+$0x0] =	vst.idx.msk $0xffff, v0  }
0xfb: {  	v9 =	vmov s1;
	v12 =	vshll.u32 v7, $0x3;
	v13 =	vor.u32 v5, v8;
	[tilespmem:v11+s8+$0x0] =	vst.idx.msk $0xffff, v0  }
0xfc: {  	v8 =	vshll.u32 v9, $0x3;
	v7 =	vand.u32 $0x7E, v7;
	v11 =	vand.u32 $0x400, v12;
	[tilespmem:v6+s8+$0x0] =	vst.idx.msk $0xffff, v0  }
0xfd: {  	s0 =	sadd.s32 $0x4, s12;
	v8 =	vand.u32 $0x400, v8;
	v6 =	vand.u32 $0x7D, v9;
	v7 =	vor.u32 v11, v7  }
.Ltmp2:
0xfe: {  	s1 =	sadd.s32 $0x3, s12;
	v9 =	vmov s0;
	v6 =	vor.u32 v8, v6;
	v8 =	vor.u32 v5, v7;
	(pc) =	sbr.rel @p0 .LBB2_7-.Ltmp2, $4  }
0xff: {  	v11 =	vmov s1;
	v12 =	vshll.u32 v9, $0x3;
	v7 =	vor.u32 v5, v6  }
0x100: {  	v14 =	vshll.u32 v11, $0x3;
	v9 =	vand.u32 $0x7C, v9;
	v12 =	vand.u32 $0x400, v12  }
0x101: {  	s1 =	sadd.s32 $0x2, s12;
	v14 =	vand.u32 $0x400, v14;
	v9 =	vor.u32 v12, v9;
	v6 =	vld.idx.msk [tilespmem:v10+s2+$0x0], $0xffff;
	v10 =	vand.u32 $0x7B, v11  }
0x102: {  	s0 =	sadd.s32 $0x1, s12;
	s12 =	sadd.s32 $0x8, s12;
	v11 =	vmov s1;
	v12 =	vor.u32 v14, v10;
	v10 =	vor.u32 v5, v9;
	v9 =	vld.idx.msk [tilespmem:v13+s2+$0x0], $0xffff  }
0x103: {  	_ =	sdelay $0x2  }
0x104: {  	v13 =	vmov s0;
	v14 =	vshll.u32 v11, $0x3  }
0x105: {  	v12 =	vor.u32 v5, v12;
	v52 =	vand.u32 $0x7A, v11;
	v8 =	vld.idx.msk [tilespmem:v8+s2+$0x0], $0xffff;
	v15 =	vshll.u32 v13, $0x3  }
0x106: {  	v7 =	vld.idx.msk [tilespmem:v7+s2+$0x0], $0xffff;
	v14 =	vand.u32 $0x400, v14;
	v13 =	vand.u32 $0x79, v13;
	v15 =	vand.u32 $0x400, v15  }
0x107: {  	v10 =	vld.idx.msk [tilespmem:v10+s2+$0x0], $0xffff;
	v11 =	vor.u32 v14, v52;
	v13 =	vor.u32 v15, v13  }
0x108: {  	v11 =	vor.u32 v5, v11;
	v53 =	vshll.u32 v6, $0x3;
	v6 =	vand.u32 $0x7F, v6  }
0x109: {  	v5 =	vor.u32 v5, v13;
	v54 =	vand.u32 $0xFFFFFC00, v53;
	v55 =	vshll.u32 v9, $0x3  }
0x10a: {  	v56 =	vand.u32 $0x7F, v9;
	v12 =	vld.idx.msk [tilespmem:v12+s2+$0x0], $0xffff;
	v6 =	vor.u32 v6, v54;
	v57 =	vand.u32 $0xFFFFFC00, v55  }
0x10b: {  	v58 =	vshll.u32 v8, $0x3;
	v59 =	vshll.u32 v7, $0x3;
	v8 =	vand.u32 $0x7F, v8  }
0x10c: {  	v7 =	vand.u32 $0x7F, v7;
	v61 =	vand.u32 $0x7F, v10;
	v10 =	vshll.u32 v10, $0x3  }
0x10d: {  	v6 =	vadd.s32 v3, v6;
	v9 =	vor.u32 v56, v57;
	v14 =	vand.u32 $0xFFFFFC00, v58;
	v11 =	vld.idx.msk [tilespmem:v11+s2+$0x0], $0xffff  }
0x10e: {  	v13 =	vand.u32 $0xFFFFFC00, v59;
	v10 =	vand.u32 $0xFFFFFC00, v10;
	v8 =	vor.u32 v8, v14;
	v5 =	vld.idx.msk [tilespmem:v5+s2+$0x0], $0xffff  }
0x10f: {  	v7 =	vor.u32 v7, v13;
	v9 =	vadd.s32 v3, v9;
	v60 =	vshll.u32 v12, $0x3  }
0x110: {  	v10 =	vor.u32 v61, v10;
	v12 =	vand.u32 $0x7F, v12;
	v13 =	vand.u32 $0xFFFFFC00, v60  }
0x111: {  	v8 =	vadd.s32 v3, v8;
	v7 =	vadd.s32 v3, v7;
	v12 =	vor.u32 v12, v13  }
0x112: {  	v10 =	vadd.s32 v3, v10;
	v62 =	vshll.u32 v11, $0x3;
	v12 =	vadd.s32 v3, v12  }
0x113: {  	v11 =	vand.u32 $0x7F, v11;
	v63 =	vshll.u32 v5, $0x3;
	v13 =	vand.u32 $0xFFFFFC00, v62  }
0x114: {  	[tilespmem:v6+s8+$0x0] =	vst.idx.msk $0xffff, v0;
	v5 =	vand.u32 $0x7F, v5;
	v6 =	vand.u32 $0xFFFFFC00, v63;
	v11 =	vor.u32 v11, v13  }
0x115: {  	s11 =	sadd.s32 $0x1, s11;
	[tilespmem:v9+s8+$0x0] =	vst.idx.msk $0xffff, v0;
	v5 =	vor.u32 v5, v6;
	v6 =	vadd.s32 v3, v11  }
0x116: {  	p0 =	sne.s32 s11, $0x6;
	[tilespmem:v8+s8+$0x0] =	vst.idx.msk $0xffff, v0;
	v5 =	vadd.s32 v3, v5  }
.Ltmp3:
0x117: {  	[tilespmem:v7+s8+$0x0] =	vst.idx.msk $0xffff, v0;
	(pc) =	sbr.rel @p0 .LBB2_4-.Ltmp3, $4  }
0x118: {  	[tilespmem:v10+s8+$0x0] =	vst.idx.msk $0xffff, v0  }
0x119: {  	[tilespmem:v12+s8+$0x0] =	vst.idx.msk $0xffff, v0  }
0x11a: {  	[tilespmem:v6+s8+$0x0] =	vst.idx.msk $0xffff, v0  }
0x11b: {  	[tilespmem:v5+s8+$0x0] =	vst.idx.msk $0xffff, v0  }
0x11c: {  	s1 =	rddreg [dreg:$0x16]  }
0x11d: {  	s0 =	rddreg [dreg:$0x15];
	s1 =	sadd.s32 $0x1, s1  }
0x11e: {  	p0 =	sne.s32 s1, s0  }
.Ltmp4:
0x11f: {  	_ = 	snop;
	(pc) =	sbr.rel @p0 .LBB2_1-.Ltmp4, $1  }
0x120: {  	_ =	sdelay $0x3  }
0x121: {  	_ =	sfence.sel $0x180000  }
0x122: {  	[bflag:$0x0] =	sbarrier.arrive $0xFFFF  }
0x123: {  	_ =	strace $0x90000047  }
0x124: {  	s0 =	stileid.u32;
	[bflag:$0x2] =	sbarrier.arrive $0xFFFF  }
0x125: {  	p0 =	sne.s32 s0, $0x0;
	s0 =	rddreg [dreg:$0x1]  }
0x126: {  	s0 =	sadd.s32 @!p0 $0x100000, s0  }
0x127: {  	[sflag:s0] =	ssyncadd.tile.s32 @!p0 $0x1;
	_ =	shalt  }
.Lfunc_end2:
_tile_overlayer_lowered:
.L_overlay_start_2:
0x128: {  	(tag) =	ssettag $0x2  }
0x129: {  	s0 =	rddreg [dreg:$0x0];
	s2 =	stileid.u32  }
0x12a: {  	s1 =	rddreg [dreg:$0x1];
	p0 =	sne.s32 s2, $0x0  }
0x12b: {  	s3 =	rddreg [dreg:$0x2];
	[bflag:$0x3] =	sbarrier.arrive $0xFFFF;
	s2 =	simm.s32 @!p0 $0x1C01  }
0x12c: {  	[timem:s3], [sflag:s2] =	dma.local @!p0 [hbm:s0], s1  }
0x12d: {  	s0 =	simm.s32 @!p0 $0x1  }
0x12e: {  	_ =	swait.ge @!p0 [sflag:s0], s1  }
0x12f: {  	s1 =	ssub.s32 @!p0 $0x0, s1;
	[sflag:s0] =	ssyncset.done @!p0 $0x0  }
0x130: {  	[sflag:s0] =	ssyncadd.s32 @!p0 s1  }
0x131: {  	[bflag:$0x3] =	sbarrier.arrive $0xFFFF  }
0x132: {  	_ =	shalt  }

</sc_bundles>
